<compile_context>
chip_gen: v7x
topology: tpu7x:2x2x1
jax: 0.10.2.dev20260603
libtpu: 0.0.44.dev20260713+nightly
codegen_flags: <defaults>
</compile_context>

<pallas_src>
import functools

import jax
import jax.numpy as jnp
from jax import lax
from jax.experimental import pallas as pl
from jax.experimental.pallas import tpu as pltpu
from jax.experimental.pallas import tpu_sc as plsc

E = 64
TOPK = 2
D = 1024
DFF = 512
T = 2048

ROWS = 128
NB = (T * TOPK) // ROWS + E
PAD = NB * ROWS

NC, NS = 2, 16
NW = NC * NS
GCH = 64
TPW = T // NW

_ROUTER_TILE = 256


def _router_body(x_ref, gw_ref, b_ref, idx_ref, w_ref, rank_ref, cnt_out_ref,
                 cnt_ref):
    x = x_ref[...]
    gw = gw_ref[...]
    logits = lax.dot_general(x, gw, (((1,), (1,)), ((), ())),
                             preferred_element_type=jnp.float32)
    scores = jax.nn.sigmoid(logits)
    biased = scores + b_ref[...]
    cols = lax.broadcasted_iota(jnp.int32, biased.shape, 1)
    m1 = jnp.max(biased, axis=1, keepdims=True)
    i1 = jnp.min(jnp.where(biased == m1, cols, E), axis=1, keepdims=True)
    oh1 = cols == i1
    s1 = jnp.sum(jnp.where(oh1, scores, 0.0), axis=1, keepdims=True)
    masked = jnp.where(oh1, -jnp.inf, biased)
    m2 = jnp.max(masked, axis=1, keepdims=True)
    i2 = jnp.min(jnp.where(masked == m2, cols, E), axis=1, keepdims=True)
    oh2 = cols == i2
    s2 = jnp.sum(jnp.where(oh2, scores, 0.0), axis=1, keepdims=True)
    tot = s1 + s2
    idx_ref[...] = jnp.concatenate([i1, i2], axis=1)
    w_ref[...] = jnp.concatenate([s1 / tot, s2 / tot], axis=1)

    @pl.when(pl.program_id(0) == 0)
    def _():
        cnt_ref[...] = jnp.zeros((1, E), jnp.float32)

    ohsum = oh1.astype(jnp.float32) + oh2.astype(jnp.float32)
    r = lax.broadcasted_iota(jnp.int32, (_ROUTER_TILE, _ROUTER_TILE), 0)
    c = lax.broadcasted_iota(jnp.int32, (_ROUTER_TILE, _ROUTER_TILE), 1)
    stri = (c < r).astype(jnp.float32)
    excl = jnp.dot(stri, ohsum, preferred_element_type=jnp.float32)
    base = excl + cnt_ref[...]
    r0 = jnp.sum(jnp.where(oh1, base, 0.0), axis=1, keepdims=True)
    r1 = jnp.sum(jnp.where(oh2, base, 0.0), axis=1, keepdims=True)
    rank_ref[...] = jnp.concatenate([r0, r1], axis=1).astype(jnp.int32)
    last = _ROUTER_TILE - 1
    new_cnt = base[last:last + 1, :] + ohsum[last:last + 1, :]
    cnt_ref[...] = new_cnt
    cnt_out_ref[...] = new_cnt.astype(jnp.int32)


def _router(x, gate_w, expert_bias):
    return pl.pallas_call(
        _router_body,
        grid=(T // _ROUTER_TILE,),
        in_specs=[
            pl.BlockSpec((_ROUTER_TILE, D), lambda i: (i, 0)),
            pl.BlockSpec((E, D), lambda i: (0, 0)),
            pl.BlockSpec((1, E), lambda i: (0, 0)),
        ],
        out_specs=[
            pl.BlockSpec((_ROUTER_TILE, TOPK), lambda i: (i, 0)),
            pl.BlockSpec((_ROUTER_TILE, TOPK), lambda i: (i, 0)),
            pl.BlockSpec((_ROUTER_TILE, TOPK), lambda i: (i, 0)),
            pl.BlockSpec((1, E), lambda i: (0, 0)),
        ],
        out_shape=[
            jax.ShapeDtypeStruct((T, TOPK), jnp.int32),
            jax.ShapeDtypeStruct((T, TOPK), jnp.float32),
            jax.ShapeDtypeStruct((T, TOPK), jnp.int32),
            jax.ShapeDtypeStruct((1, E), jnp.int32),
        ],
        scratch_shapes=[pltpu.VMEM((1, E), jnp.float32)],
        compiler_params=pltpu.CompilerParams(
            dimension_semantics=("arbitrary",)),
    )(x, gate_w, expert_bias.reshape(1, E))


def _dispatch_maps(topk_idx, rank, counts):
    eq = topk_idx.reshape(-1).astype(jnp.int32)
    rank = rank.reshape(-1)
    counts = counts.reshape(E)
    nb = (counts + ROWS - 1) // ROWS
    pcount = nb * ROWS
    poff = jnp.concatenate([jnp.zeros((1,), jnp.int32),
                            jnp.cumsum(pcount)[:-1].astype(jnp.int32)])
    ppos = poff[eq] + rank
    cnb = jnp.cumsum(nb).astype(jnp.int32)
    total_nb = cnb[-1]
    blk = jnp.arange(NB, dtype=jnp.int32)
    be_raw = jnp.clip(jnp.searchsorted(cnb, blk, side='right'), 0, E - 1)
    be_raw = be_raw.astype(jnp.int32)
    valid = blk < total_nb
    be = jnp.where(valid, be_raw, be_raw[total_nb - 1])
    return be, total_nb.reshape(1), ppos


def _dispatch_body(x_hbm, pos_hbm, xs_hbm, idx_v, rows_v, sem):
    wid = lax.axis_index("s") * NC + lax.axis_index("c")
    pltpu.sync_copy(pos_hbm.at[wid], idx_v)
    pltpu.sync_copy(x_hbm.at[pl.ds(wid * TPW, TPW)], rows_v)
    pltpu.async_copy(rows_v, xs_hbm.at[idx_v.at[0]], sem).wait()
    pltpu.async_copy(rows_v, xs_hbm.at[idx_v.at[1]], sem).wait()


_sc_dispatch = functools.partial(
    pl.kernel,
    mesh=plsc.VectorSubcoreMesh(core_axis_name="c", subcore_axis_name="s"),
    out_type=jax.ShapeDtypeStruct((PAD, D), jnp.float32),
    scratch_types=[
        pltpu.VMEM((TOPK, TPW), jnp.int32),
        pltpu.VMEM((TPW, D), jnp.float32),
        pltpu.SemaphoreType.DMA,
    ],
)(_dispatch_body)


def _make_sc_gather(n_rows):
    chunks = n_rows // (NW * GCH)

    def body(src_hbm, gidx_hbm, out_hbm, idx_v, rows_v, sem):
        wid = lax.axis_index("s") * NC + lax.axis_index("c")
        pltpu.sync_copy(gidx_hbm.at[pl.ds(wid * chunks, chunks)], idx_v)
        base = wid * (chunks * GCH)
        for c in range(chunks):
            pltpu.async_copy(src_hbm.at[idx_v.at[c]], rows_v, sem).wait()
            pltpu.sync_copy(rows_v, out_hbm.at[pl.ds(base + c * GCH, GCH)])

    return functools.partial(
        pl.kernel,
        mesh=plsc.VectorSubcoreMesh(core_axis_name="c", subcore_axis_name="s"),
        out_type=jax.ShapeDtypeStruct((n_rows, D), jnp.float32),
        scratch_types=[
            pltpu.VMEM((chunks, GCH), jnp.int32),
            pltpu.VMEM((GCH, D), jnp.float32),
            pltpu.SemaphoreType.DMA,
        ],
    )(body)


_sc_gather_pairs = _make_sc_gather(T * TOPK)


def _mlp_body(be_ref, tn_ref, xs_ref, w1_ref, w3_ref, w2_ref, out_ref):
    del be_ref

    @pl.when(pl.program_id(0) < tn_ref[0])
    def _():
        x = xs_ref[...]
        a = jnp.dot(x, w1_ref[0], preferred_element_type=jnp.float32)
        g = a * jax.nn.sigmoid(a) * jnp.dot(x, w3_ref[0],
                                            preferred_element_type=jnp.float32)
        out_ref[...] = jnp.dot(g, w2_ref[0], preferred_element_type=jnp.float32)


def _grouped_mlp(be, total_nb, xs, w1, w3, w2):
    grid_spec = pltpu.PrefetchScalarGridSpec(
        num_scalar_prefetch=2,
        grid=(NB,),
        in_specs=[
            pl.BlockSpec((ROWS, D), lambda i, be, tn: (i, 0)),
            pl.BlockSpec((1, D, DFF), lambda i, be, tn: (be[i], 0, 0)),
            pl.BlockSpec((1, D, DFF), lambda i, be, tn: (be[i], 0, 0)),
            pl.BlockSpec((1, DFF, D), lambda i, be, tn: (be[i], 0, 0)),
        ],
        out_specs=pl.BlockSpec((ROWS, D), lambda i, be, tn: (i, 0)),
    )
    return pl.pallas_call(
        _mlp_body,
        grid_spec=grid_spec,
        out_shape=jax.ShapeDtypeStruct((PAD, D), jnp.float32),
        compiler_params=pltpu.CompilerParams(
            dimension_semantics=("arbitrary",)),
    )(be, total_nb, xs, w1, w3, w2)


def _add_body(a_ref, b_ref, w_ref, o_ref):
    w = w_ref[...]
    o_ref[...] = a_ref[...] * w[:, 0:1] + b_ref[...] * w[:, 1:2]


def _pair_add(ypair, topk_w):
    tile = 256
    return pl.pallas_call(
        _add_body,
        grid=(T // tile,),
        in_specs=[
            pl.BlockSpec((tile, D), lambda i: (i, 0)),
            pl.BlockSpec((tile, D), lambda i: (i + T // tile, 0)),
            pl.BlockSpec((tile, TOPK), lambda i: (i, 0)),
        ],
        out_specs=pl.BlockSpec((tile, D), lambda i: (i, 0)),
        out_shape=jax.ShapeDtypeStruct((T, D), jnp.float32),
    )(ypair, ypair, topk_w)


def kernel(hidden_states, gate_w, expert_bias, w1, w3, w2):
    topk_idx, topk_w, rank, counts = _router(hidden_states, gate_w,
                                             expert_bias)
    be, total_nb, ppos = _dispatch_maps(topk_idx, rank, counts)
    pos = ppos.reshape(NW, TPW, TOPK).transpose(0, 2, 1)
    xs = _sc_dispatch(hidden_states, pos)
    ysc = _grouped_mlp(be, total_nb, xs, w1, w3, w2)
    pidx = jnp.concatenate([ppos[0::2], ppos[1::2]])
    ypair = _sc_gather_pairs(ysc, pidx.reshape(-1, GCH))
    return _pair_add(ypair, topk_w)

# --- scband reference (transcript-rebuilt; emitter-appended) ---
"""Pipeline reference for scband-lfm2-moe-sparse-moe-block-4982162063769 (READ-ONLY COPY).

The authoritative reference and input builder live on the scoring server;
editing this copy changes nothing except your own understanding.
"""

import jax, jax.numpy as jnp
import numpy as np

E = 64
TOPK = 2
D = 1024
DFF = 512
T = 2048
SCALE = 1.0


def setup_inputs(seed: int = 0) -> dict:
    key = jax.random.key(seed)
    ks = jax.random.split(key, 6)
    return {
        "hidden_states": jax.random.normal(ks[0], (T, D), dtype=jnp.float32),
        "gate_w": jax.random.normal(ks[1], (E, D), dtype=jnp.float32) * 0.02,
        "expert_bias": jnp.zeros((E,), dtype=jnp.float32),
        "w1": jax.random.normal(ks[2], (E, D, DFF), dtype=jnp.float32) * 0.02,
        "w3": jax.random.normal(ks[3], (E, D, DFF), dtype=jnp.float32) * 0.02,
        "w2": jax.random.normal(ks[4], (E, DFF, D), dtype=jnp.float32) * 0.02,
    }


def reference(hidden_states, gate_w, expert_bias, w1, w3, w2):
    # Gate: ReplicatedLinear (no bias)
    router_logits = hidden_states @ gate_w.T  # [T, E]
    # Sigmoid scoring (auxiliary-loss-free style)
    scores = jax.nn.sigmoid(router_logits)
    # Expert bias (fp32) affects selection only, not weighting
    biased = scores.astype(jnp.float32) + expert_bias[None, :]
    _, topk_idx = jax.lax.top_k(biased, TOPK)  # [T, TOPK]
    # Weights come from the ORIGINAL (un-biased) sigmoid scores
    topk_w = jnp.take_along_axis(scores, topk_idx, axis=1)
    # norm_topk_prob=True: renormalize over selected experts
    topk_w = topk_w / jnp.sum(topk_w, axis=1, keepdims=True)

    out = jnp.zeros_like(hidden_states)
    for e in range(E):
        w_e = jnp.sum(topk_w * (topk_idx == e), axis=1)  # [T], 0 for unrouted
        xe = hidden_states
        h = (jax.nn.silu(xe @ w1[e]) * (xe @ w3[e])) @ w2[e]  # gated MLP expert
        out = out + h * w_e[:, None]
    return out * SCALE

if __name__ == "__main__":
    import jax
    _d = setup_inputs()
    print(jax.jit(kernel)(*tuple(_d.values())))

</pallas_src>

<mosaic_0001>
#map = affine_map<(d0, d1) -> (0, 0)>
#map1 = affine_map<(d0, d1) -> (0, 0, 0)>
module attributes {stable_mosaic.version = 14 : i64} {
  func.func @_dispatch_body(%arg0: i32, %arg1: i32, %arg2: memref<2048x1024xf32, #tpu.memory_space<hbm>>, %arg3: memref<32x2x64xi32, #tpu.memory_space<hbm>>, %arg4: memref<12288x1024xf32, #tpu.memory_space<hbm>>, %arg5: memref<2x64xi32, #tpu.memory_space<vmem>>, %arg6: memref<64x1024xf32, #tpu.memory_space<vmem>>, %arg7: memref<!tpu.dma_semaphore, #tpu.memory_space<semaphore_mem>>) attributes {dimension_semantics = [#tpu.dimension_semantics<core_parallel>, #tpu.dimension_semantics<subcore_parallel>], iteration_bounds = array<i64: 2, 16>, scalar_prefetch = 0 : i64, scratch_operands = 3 : i64, tpu.core_type = #tpu.core_type<sc_vector_subcore>, window_params = [{transform_indices = #map}, {transform_indices = #map1}, {transform_indices = #map}]} {
    %mul3A = arith.constant 2 : i32
    %mul3A_0 = arith.muli %arg1, %mul3A : i32
    %add3A = arith.addi %mul3A_0, %arg0 : i32
    "tpu.region"() ({
      %run_scoped3A = tpu.sem_alloc : memref<!tpu.dma_semaphore, #tpu.memory_space<semaphore_mem>>
      %dma_start3A_29 = arith.constant 0 : i32
      %dma_start3A_30 = arith.constant 0 : i32
      %dma_start3A_31 = tpu.memref_slice %arg3[%add3A, %dma_start3A_29, %dma_start3A_30] : memref<32x2x64xi32, #tpu.memory_space<hbm>> -> memref<1x2x64xi32, #tpu.memory_space<hbm>>
      %dma_start3A_32 = tpu.memref_squeeze %dma_start3A_31 : memref<1x2x64xi32, #tpu.memory_space<hbm>> -> memref<2x64xi32, #tpu.memory_space<hbm>>
      %dma_start3A_33 = arith.constant 0 : i32
      %dma_start3A_34 = arith.constant 0 : i32
      %dma_start3A_35 = tpu.memref_slice %arg3[%add3A, %dma_start3A_33, %dma_start3A_34] : memref<32x2x64xi32, #tpu.memory_space<hbm>> -> memref<1x2x64xi32, #tpu.memory_space<hbm>>
      %dma_start3A_36 = tpu.memref_squeeze %dma_start3A_35 : memref<1x2x64xi32, #tpu.memory_space<hbm>> -> memref<2x64xi32, #tpu.memory_space<hbm>>
      tpu.enqueue_dma source(%dma_start3A_36 : memref<2x64xi32, #tpu.memory_space<hbm>>) target(%arg5 : memref<2x64xi32, #tpu.memory_space<vmem>>) target_semaphore(%run_scoped3A : memref<!tpu.dma_semaphore, #tpu.memory_space<semaphore_mem>>)
      %dma_wait3A_37 = arith.constant 0 : i32
      %dma_wait3A_38 = arith.constant 0 : i32
      %dma_wait3A_39 = tpu.memref_slice %arg3[%add3A, %dma_wait3A_37, %dma_wait3A_38] : memref<32x2x64xi32, #tpu.memory_space<hbm>> -> memref<1x2x64xi32, #tpu.memory_space<hbm>>
      %dma_wait3A_40 = tpu.memref_squeeze %dma_wait3A_39 : memref<1x2x64xi32, #tpu.memory_space<hbm>> -> memref<2x64xi32, #tpu.memory_space<hbm>>
      %dma_wait3A_41 = arith.constant 0 : i32
      %dma_wait3A_42 = arith.constant 0 : i32
      %dma_wait3A_43 = tpu.memref_slice %arg3[%add3A, %dma_wait3A_41, %dma_wait3A_42] : memref<32x2x64xi32, #tpu.memory_space<hbm>> -> memref<1x2x64xi32, #tpu.memory_space<hbm>>
      %dma_wait3A_44 = tpu.memref_squeeze %dma_wait3A_43 : memref<1x2x64xi32, #tpu.memory_space<hbm>> -> memref<2x64xi32, #tpu.memory_space<hbm>>
      tpu.wait_dma2 semaphore(%run_scoped3A : memref<!tpu.dma_semaphore, #tpu.memory_space<semaphore_mem>>) src(%dma_wait3A_44 : memref<2x64xi32, #tpu.memory_space<hbm>>) dst(%arg5 : memref<2x64xi32, #tpu.memory_space<vmem>>)
      tpu.yield
    }) : () -> ()
    %mul3A_1 = arith.constant 64 : i32
    %mul3A_2 = arith.muli %add3A, %mul3A_1 : i32
    "tpu.region"() ({
      %run_scoped3A = tpu.sem_alloc : memref<!tpu.dma_semaphore, #tpu.memory_space<semaphore_mem>>
      %dma_start3A_29 = arith.constant 0 : i32
      %dma_start3A_30 = tpu.memref_slice %arg2[%mul3A_2, %dma_start3A_29] : memref<2048x1024xf32, #tpu.memory_space<hbm>> -> memref<64x1024xf32, #tpu.memory_space<hbm>>
      %dma_start3A_31 = arith.constant 0 : i32
      %dma_start3A_32 = tpu.memref_slice %arg2[%mul3A_2, %dma_start3A_31] : memref<2048x1024xf32, #tpu.memory_space<hbm>> -> memref<64x1024xf32, #tpu.memory_space<hbm>>
      tpu.enqueue_dma source(%dma_start3A_32 : memref<64x1024xf32, #tpu.memory_space<hbm>>) target(%arg6 : memref<64x1024xf32, #tpu.memory_space<vmem>>) target_semaphore(%run_scoped3A : memref<!tpu.dma_semaphore, #tpu.memory_space<semaphore_mem>>)
      %dma_wait3A_33 = arith.constant 0 : i32
      %dma_wait3A_34 = tpu.memref_slice %arg2[%mul3A_2, %dma_wait3A_33] : memref<2048x1024xf32, #tpu.memory_space<hbm>> -> memref<64x1024xf32, #tpu.memory_space<hbm>>
      %dma_wait3A_35 = arith.constant 0 : i32
      %dma_wait3A_36 = tpu.memref_slice %arg2[%mul3A_2, %dma_wait3A_35] : memref<2048x1024xf32, #tpu.memory_space<hbm>> -> memref<64x1024xf32, #tpu.memory_space<hbm>>
      tpu.wait_dma2 semaphore(%run_scoped3A : memref<!tpu.dma_semaphore, #tpu.memory_space<semaphore_mem>>) src(%dma_wait3A_36 : memref<64x1024xf32, #tpu.memory_space<hbm>>) dst(%arg6 : memref<64x1024xf32, #tpu.memory_space<vmem>>)
      tpu.yield
    }) : () -> ()
    %dma_start3A = arith.constant 0 : i32
    %dma_start3A_3 = arith.constant 0 : i32
    %dma_start3A_4 = tpu.memref_slice %arg5[%dma_start3A, %dma_start3A_3] : memref<2x64xi32, #tpu.memory_space<vmem>> -> memref<1x64xi32, #tpu.memory_space<vmem>>
    %dma_start3A_5 = tpu.memref_squeeze %dma_start3A_4 : memref<1x64xi32, #tpu.memory_space<vmem>> -> memref<64xi32, #tpu.memory_space<vmem>>
    %dma_start3A_6 = arith.constant 0 : i32
    %dma_start3A_7 = arith.constant 0 : i32
    %dma_start3A_8 = tpu.memref_slice %arg4[%dma_start3A_6, %dma_start3A_7] : memref<12288x1024xf32, #tpu.memory_space<hbm>> -> memref<12288x1024xf32, #tpu.memory_space<hbm>>
    tpu.enqueue_indirect_dma source(%arg6 : memref<64x1024xf32, #tpu.memory_space<vmem>>) target(%dma_start3A_8 : memref<12288x1024xf32, #tpu.memory_space<hbm>>) offsets(%dma_start3A_5 : memref<64xi32, #tpu.memory_space<vmem>>) semaphore(%arg7 : memref<!tpu.dma_semaphore, #tpu.memory_space<semaphore_mem>>)
    %dma_wait3A = arith.constant 0 : i32
    %dma_wait3A_9 = arith.constant 0 : i32
    %dma_wait3A_10 = tpu.memref_slice %arg5[%dma_wait3A, %dma_wait3A_9] : memref<2x64xi32, #tpu.memory_space<vmem>> -> memref<1x64xi32, #tpu.memory_space<vmem>>
    %dma_wait3A_11 = tpu.memref_squeeze %dma_wait3A_10 : memref<1x64xi32, #tpu.memory_space<vmem>> -> memref<64xi32, #tpu.memory_space<vmem>>
    %dma_wait3A_12 = arith.constant 0 : i32
    %dma_wait3A_13 = arith.constant 0 : i32
    %dma_wait3A_14 = tpu.memref_slice %arg4[%dma_wait3A_12, %dma_wait3A_13] : memref<12288x1024xf32, #tpu.memory_space<hbm>> -> memref<12288x1024xf32, #tpu.memory_space<hbm>>
    tpu.wait_indirect_dma semaphore(%arg7 : memref<!tpu.dma_semaphore, #tpu.memory_space<semaphore_mem>>) src(%arg6 : memref<64x1024xf32, #tpu.memory_space<vmem>>) dst(%dma_wait3A_14 : memref<12288x1024xf32, #tpu.memory_space<hbm>>)
    %dma_start3A_15 = arith.constant 1 : i32
    %dma_start3A_16 = arith.constant 0 : i32
    %dma_start3A_17 = tpu.memref_slice %arg5[%dma_start3A_15, %dma_start3A_16] : memref<2x64xi32, #tpu.memory_space<vmem>> -> memref<1x64xi32, #tpu.memory_space<vmem>>
    %dma_start3A_18 = tpu.memref_squeeze %dma_start3A_17 : memref<1x64xi32, #tpu.memory_space<vmem>> -> memref<64xi32, #tpu.memory_space<vmem>>
    %dma_start3A_19 = arith.constant 0 : i32
    %dma_start3A_20 = arith.constant 0 : i32
    %dma_start3A_21 = tpu.memref_slice %arg4[%dma_start3A_19, %dma_start3A_20] : memref<12288x1024xf32, #tpu.memory_space<hbm>> -> memref<12288x1024xf32, #tpu.memory_space<hbm>>
    tpu.enqueue_indirect_dma source(%arg6 : memref<64x1024xf32, #tpu.memory_space<vmem>>) target(%dma_start3A_21 : memref<12288x1024xf32, #tpu.memory_space<hbm>>) offsets(%dma_start3A_18 : memref<64xi32, #tpu.memory_space<vmem>>) semaphore(%arg7 : memref<!tpu.dma_semaphore, #tpu.memory_space<semaphore_mem>>)
    %dma_wait3A_22 = arith.constant 1 : i32
    %dma_wait3A_23 = arith.constant 0 : i32
    %dma_wait3A_24 = tpu.memref_slice %arg5[%dma_wait3A_22, %dma_wait3A_23] : memref<2x64xi32, #tpu.memory_space<vmem>> -> memref<1x64xi32, #tpu.memory_space<vmem>>
    %dma_wait3A_25 = tpu.memref_squeeze %dma_wait3A_24 : memref<1x64xi32, #tpu.memory_space<vmem>> -> memref<64xi32, #tpu.memory_space<vmem>>
    %dma_wait3A_26 = arith.constant 0 : i32
    %dma_wait3A_27 = arith.constant 0 : i32
    %dma_wait3A_28 = tpu.memref_slice %arg4[%dma_wait3A_26, %dma_wait3A_27] : memref<12288x1024xf32, #tpu.memory_space<hbm>> -> memref<12288x1024xf32, #tpu.memory_space<hbm>>
    tpu.wait_indirect_dma semaphore(%arg7 : memref<!tpu.dma_semaphore, #tpu.memory_space<semaphore_mem>>) src(%arg6 : memref<64x1024xf32, #tpu.memory_space<vmem>>) dst(%dma_wait3A_28 : memref<12288x1024xf32, #tpu.memory_space<hbm>>)
    return
  }
}

#map = affine_map<(d0, d1) -> (0, 0)>
module attributes {stable_mosaic.version = 14 : i64} {
  func.func @body(%arg0: i32, %arg1: i32, %arg2: memref<12288x1024xf32, #tpu.memory_space<hbm>>, %arg3: memref<64x64xi32, #tpu.memory_space<hbm>>, %arg4: memref<4096x1024xf32, #tpu.memory_space<hbm>>, %arg5: memref<2x64xi32, #tpu.memory_space<vmem>>, %arg6: memref<64x1024xf32, #tpu.memory_space<vmem>>, %arg7: memref<!tpu.dma_semaphore, #tpu.memory_space<semaphore_mem>>) attributes {dimension_semantics = [#tpu.dimension_semantics<core_parallel>, #tpu.dimension_semantics<subcore_parallel>], iteration_bounds = array<i64: 2, 16>, scalar_prefetch = 0 : i64, scratch_operands = 3 : i64, tpu.core_type = #tpu.core_type<sc_vector_subcore>, window_params = [{transform_indices = #map}, {transform_indices = #map}, {transform_indices = #map}]} {
    %mul3A = arith.constant 2 : i32
    %mul3A_0 = arith.muli %arg1, %mul3A : i32
    %add3A = arith.addi %mul3A_0, %arg0 : i32
    %mul3A_1 = arith.constant 2 : i32
    %mul3A_2 = arith.muli %add3A, %mul3A_1 : i32
    "tpu.region"() ({
      %run_scoped3A = tpu.sem_alloc : memref<!tpu.dma_semaphore, #tpu.memory_space<semaphore_mem>>
      %dma_start3A_35 = arith.constant 0 : i32
      %dma_start3A_36 = tpu.memref_slice %arg3[%mul3A_2, %dma_start3A_35] : memref<64x64xi32, #tpu.memory_space<hbm>> -> memref<2x64xi32, #tpu.memory_space<hbm>>
      %dma_start3A_37 = arith.constant 0 : i32
      %dma_start3A_38 = tpu.memref_slice %arg3[%mul3A_2, %dma_start3A_37] : memref<64x64xi32, #tpu.memory_space<hbm>> -> memref<2x64xi32, #tpu.memory_space<hbm>>
      tpu.enqueue_dma source(%dma_start3A_38 : memref<2x64xi32, #tpu.memory_space<hbm>>) target(%arg5 : memref<2x64xi32, #tpu.memory_space<vmem>>) target_semaphore(%run_scoped3A : memref<!tpu.dma_semaphore, #tpu.memory_space<semaphore_mem>>)
      %dma_wait3A_39 = arith.constant 0 : i32
      %dma_wait3A_40 = tpu.memref_slice %arg3[%mul3A_2, %dma_wait3A_39] : memref<64x64xi32, #tpu.memory_space<hbm>> -> memref<2x64xi32, #tpu.memory_space<hbm>>
      %dma_wait3A_41 = arith.constant 0 : i32
      %dma_wait3A_42 = tpu.memref_slice %arg3[%mul3A_2, %dma_wait3A_41] : memref<64x64xi32, #tpu.memory_space<hbm>> -> memref<2x64xi32, #tpu.memory_space<hbm>>
      tpu.wait_dma2 semaphore(%run_scoped3A : memref<!tpu.dma_semaphore, #tpu.memory_space<semaphore_mem>>) src(%dma_wait3A_42 : memref<2x64xi32, #tpu.memory_space<hbm>>) dst(%arg5 : memref<2x64xi32, #tpu.memory_space<vmem>>)
      tpu.yield
    }) : () -> ()
    %mul3A_3 = arith.constant 128 : i32
    %mul3A_4 = arith.muli %add3A, %mul3A_3 : i32
    %dma_start3A = arith.constant 0 : i32
    %dma_start3A_5 = arith.constant 0 : i32
    %dma_start3A_6 = tpu.memref_slice %arg5[%dma_start3A, %dma_start3A_5] : memref<2x64xi32, #tpu.memory_space<vmem>> -> memref<1x64xi32, #tpu.memory_space<vmem>>
    %dma_start3A_7 = tpu.memref_squeeze %dma_start3A_6 : memref<1x64xi32, #tpu.memory_space<vmem>> -> memref<64xi32, #tpu.memory_space<vmem>>
    %dma_start3A_8 = arith.constant 0 : i32
    %dma_start3A_9 = arith.constant 0 : i32
    %dma_start3A_10 = tpu.memref_slice %arg2[%dma_start3A_8, %dma_start3A_9] : memref<12288x1024xf32, #tpu.memory_space<hbm>> -> memref<12288x1024xf32, #tpu.memory_space<hbm>>
    tpu.enqueue_indirect_dma source(%dma_start3A_10 : memref<12288x1024xf32, #tpu.memory_space<hbm>>) target(%arg6 : memref<64x1024xf32, #tpu.memory_space<vmem>>) offsets(%dma_start3A_7 : memref<64xi32, #tpu.memory_space<vmem>>) semaphore(%arg7 : memref<!tpu.dma_semaphore, #tpu.memory_space<semaphore_mem>>)
    %dma_wait3A = arith.constant 0 : i32
    %dma_wait3A_11 = arith.constant 0 : i32
    %dma_wait3A_12 = tpu.memref_slice %arg5[%dma_wait3A, %dma_wait3A_11] : memref<2x64xi32, #tpu.memory_space<vmem>> -> memref<1x64xi32, #tpu.memory_space<vmem>>
    %dma_wait3A_13 = tpu.memref_squeeze %dma_wait3A_12 : memref<1x64xi32, #tpu.memory_space<vmem>> -> memref<64xi32, #tpu.memory_space<vmem>>
    %dma_wait3A_14 = arith.constant 0 : i32
    %dma_wait3A_15 = arith.constant 0 : i32
    %dma_wait3A_16 = tpu.memref_slice %arg2[%dma_wait3A_14, %dma_wait3A_15] : memref<12288x1024xf32, #tpu.memory_space<hbm>> -> memref<12288x1024xf32, #tpu.memory_space<hbm>>
    tpu.wait_indirect_dma semaphore(%arg7 : memref<!tpu.dma_semaphore, #tpu.memory_space<semaphore_mem>>) src(%dma_wait3A_16 : memref<12288x1024xf32, #tpu.memory_space<hbm>>) dst(%arg6 : memref<64x1024xf32, #tpu.memory_space<vmem>>)
    %add3A_17 = arith.constant 0 : i32
    %add3A_18 = arith.addi %mul3A_4, %add3A_17 : i32
    "tpu.region"() ({
      %run_scoped3A = tpu.sem_alloc : memref<!tpu.dma_semaphore, #tpu.memory_space<semaphore_mem>>
      %dma_start3A_35 = arith.constant 0 : i32
      %dma_start3A_36 = tpu.memref_slice %arg4[%add3A_18, %dma_start3A_35] : memref<4096x1024xf32, #tpu.memory_space<hbm>> -> memref<64x1024xf32, #tpu.memory_space<hbm>>
      %dma_start3A_37 = arith.constant 0 : i32
      %dma_start3A_38 = tpu.memref_slice %arg4[%add3A_18, %dma_start3A_37] : memref<4096x1024xf32, #tpu.memory_space<hbm>> -> memref<64x1024xf32, #tpu.memory_space<hbm>>
      tpu.enqueue_dma source(%arg6 : memref<64x1024xf32, #tpu.memory_space<vmem>>) target(%dma_start3A_38 : memref<64x1024xf32, #tpu.memory_space<hbm>>) target_semaphore(%run_scoped3A : memref<!tpu.dma_semaphore, #tpu.memory_space<semaphore_mem>>)
      %dma_wait3A_39 = arith.constant 0 : i32
      %dma_wait3A_40 = tpu.memref_slice %arg4[%add3A_18, %dma_wait3A_39] : memref<4096x1024xf32, #tpu.memory_space<hbm>> -> memref<64x1024xf32, #tpu.memory_space<hbm>>
      %dma_wait3A_41 = arith.constant 0 : i32
      %dma_wait3A_42 = tpu.memref_slice %arg4[%add3A_18, %dma_wait3A_41] : memref<4096x1024xf32, #tpu.memory_space<hbm>> -> memref<64x1024xf32, #tpu.memory_space<hbm>>
      tpu.wait_dma2 semaphore(%run_scoped3A : memref<!tpu.dma_semaphore, #tpu.memory_space<semaphore_mem>>) src(%arg6 : memref<64x1024xf32, #tpu.memory_space<vmem>>) dst(%dma_wait3A_42 : memref<64x1024xf32, #tpu.memory_space<hbm>>)
      tpu.yield
    }) : () -> ()
    %dma_start3A_19 = arith.constant 1 : i32
    %dma_start3A_20 = arith.constant 0 : i32
    %dma_start3A_21 = tpu.memref_slice %arg5[%dma_start3A_19, %dma_start3A_20] : memref<2x64xi32, #tpu.memory_space<vmem>> -> memref<1x64xi32, #tpu.memory_space<vmem>>
    %dma_start3A_22 = tpu.memref_squeeze %dma_start3A_21 : memref<1x64xi32, #tpu.memory_space<vmem>> -> memref<64xi32, #tpu.memory_space<vmem>>
    %dma_start3A_23 = arith.constant 0 : i32
    %dma_start3A_24 = arith.constant 0 : i32
    %dma_start3A_25 = tpu.memref_slice %arg2[%dma_start3A_23, %dma_start3A_24] : memref<12288x1024xf32, #tpu.memory_space<hbm>> -> memref<12288x1024xf32, #tpu.memory_space<hbm>>
    tpu.enqueue_indirect_dma source(%dma_start3A_25 : memref<12288x1024xf32, #tpu.memory_space<hbm>>) target(%arg6 : memref<64x1024xf32, #tpu.memory_space<vmem>>) offsets(%dma_start3A_22 : memref<64xi32, #tpu.memory_space<vmem>>) semaphore(%arg7 : memref<!tpu.dma_semaphore, #tpu.memory_space<semaphore_mem>>)
    %dma_wait3A_26 = arith.constant 1 : i32
    %dma_wait3A_27 = arith.constant 0 : i32
    %dma_wait3A_28 = tpu.memref_slice %arg5[%dma_wait3A_26, %dma_wait3A_27] : memref<2x64xi32, #tpu.memory_space<vmem>> -> memref<1x64xi32, #tpu.memory_space<vmem>>
    %dma_wait3A_29 = tpu.memref_squeeze %dma_wait3A_28 : memref<1x64xi32, #tpu.memory_space<vmem>> -> memref<64xi32, #tpu.memory_space<vmem>>
    %dma_wait3A_30 = arith.constant 0 : i32
    %dma_wait3A_31 = arith.constant 0 : i32
    %dma_wait3A_32 = tpu.memref_slice %arg2[%dma_wait3A_30, %dma_wait3A_31] : memref<12288x1024xf32, #tpu.memory_space<hbm>> -> memref<12288x1024xf32, #tpu.memory_space<hbm>>
    tpu.wait_indirect_dma semaphore(%arg7 : memref<!tpu.dma_semaphore, #tpu.memory_space<semaphore_mem>>) src(%dma_wait3A_32 : memref<12288x1024xf32, #tpu.memory_space<hbm>>) dst(%arg6 : memref<64x1024xf32, #tpu.memory_space<vmem>>)
    %add3A_33 = arith.constant 64 : i32
    %add3A_34 = arith.addi %mul3A_4, %add3A_33 : i32
    "tpu.region"() ({
      %run_scoped3A = tpu.sem_alloc : memref<!tpu.dma_semaphore, #tpu.memory_space<semaphore_mem>>
      %dma_start3A_35 = arith.constant 0 : i32
      %dma_start3A_36 = tpu.memref_slice %arg4[%add3A_34, %dma_start3A_35] : memref<4096x1024xf32, #tpu.memory_space<hbm>> -> memref<64x1024xf32, #tpu.memory_space<hbm>>
      %dma_start3A_37 = arith.constant 0 : i32
      %dma_start3A_38 = tpu.memref_slice %arg4[%add3A_34, %dma_start3A_37] : memref<4096x1024xf32, #tpu.memory_space<hbm>> -> memref<64x1024xf32, #tpu.memory_space<hbm>>
      tpu.enqueue_dma source(%arg6 : memref<64x1024xf32, #tpu.memory_space<vmem>>) target(%dma_start3A_38 : memref<64x1024xf32, #tpu.memory_space<hbm>>) target_semaphore(%run_scoped3A : memref<!tpu.dma_semaphore, #tpu.memory_space<semaphore_mem>>)
      %dma_wait3A_39 = arith.constant 0 : i32
      %dma_wait3A_40 = tpu.memref_slice %arg4[%add3A_34, %dma_wait3A_39] : memref<4096x1024xf32, #tpu.memory_space<hbm>> -> memref<64x1024xf32, #tpu.memory_space<hbm>>
      %dma_wait3A_41 = arith.constant 0 : i32
      %dma_wait3A_42 = tpu.memref_slice %arg4[%add3A_34, %dma_wait3A_41] : memref<4096x1024xf32, #tpu.memory_space<hbm>> -> memref<64x1024xf32, #tpu.memory_space<hbm>>
      tpu.wait_dma2 semaphore(%run_scoped3A : memref<!tpu.dma_semaphore, #tpu.memory_space<semaphore_mem>>) src(%arg6 : memref<64x1024xf32, #tpu.memory_space<vmem>>) dst(%dma_wait3A_42 : memref<64x1024xf32, #tpu.memory_space<hbm>>)
      tpu.yield
    }) : () -> ()
    return
  }
}

module attributes {stable_mosaic.version = 14 : i64} {
  func.func @_router_body(%arg0: i32, %arg1: memref<256x1024xf32, #tpu.memory_space<vmem>>, %arg2: memref<64x1024xf32, #tpu.memory_space<vmem>>, %arg3: memref<1x64xf32, #tpu.memory_space<vmem>>, %arg4: memref<256x2xi32, #tpu.memory_space<vmem>>, %arg5: memref<256x2xf32, #tpu.memory_space<vmem>>, %arg6: memref<256x2xi32, #tpu.memory_space<vmem>>, %arg7: memref<1x64xi32, #tpu.memory_space<vmem>>, %arg8: memref<1x64xf32, #tpu.memory_space<vmem>>) attributes {dimension_semantics = [#tpu.dimension_semantics<arbitrary>], iteration_bounds = array<i64: 8>, scalar_prefetch = 0 : i64, scratch_operands = 1 : i64, tpu.core_type = #tpu.core_type<tc>, window_params = [{transform_indices = @transform_0, window_bounds = array<i64: 256, 1024>}, {pipeline_mode = #tpu.pipeline_mode<synchronous>, transform_indices = @transform_1, window_bounds = array<i64: 64, 1024>}, {pipeline_mode = #tpu.pipeline_mode<synchronous>, transform_indices = @transform_2, window_bounds = array<i64: 1, 64>}, {transform_indices = @transform_3, window_bounds = array<i64: 256, 2>}, {transform_indices = @transform_4, window_bounds = array<i64: 256, 2>}, {transform_indices = @transform_5, window_bounds = array<i64: 256, 2>}, {pipeline_mode = #tpu.pipeline_mode<synchronous>, transform_indices = @transform_6, window_bounds = array<i64: 1, 64>}]} {
    %get3A = arith.constant 0 : index
    %get3A_0 = arith.constant 0 : index
    %get3A_1 = vector.load %arg1[%get3A, %get3A_0] : memref<256x1024xf32, #tpu.memory_space<vmem>>, vector<256x1024xf32>
    %get3A_2 = arith.constant 0 : index
    %get3A_3 = arith.constant 0 : index
    %get3A_4 = vector.load %arg2[%get3A_2, %get3A_3] : memref<64x1024xf32, #tpu.memory_space<vmem>>, vector<64x1024xf32>
    %dot_general3A = arith.constant dense<0.000000e+00> : vector<256x64xf32>
    %dot_general3A_5 = tpu.matmul %get3A_1, %get3A_4, %dot_general3A {dimension_numbers = #tpu.dot_dimension_numbers<[1], [1], [0], [0], [0, 0, 1, 0], [], []>, transpose_lhs_hint = false} : vector<256x1024xf32>, vector<64x1024xf32>, vector<256x64xf32> -> vector<256x64xf32>
    %logistic3A = arith.negf %dot_general3A_5 : vector<256x64xf32>
    %logistic3A_6 = math.exp %logistic3A : vector<256x64xf32>
    %logistic3A_7 = arith.constant 1.000000e+00 : f32
    %logistic3A_8 = vector.broadcast %logistic3A_7 : f32 to vector<256x64xf32>
    %logistic3A_9 = arith.addf %logistic3A_8, %logistic3A_6 : vector<256x64xf32>
    %logistic3A_10 = arith.divf %logistic3A_8, %logistic3A_9 : vector<256x64xf32>
    %get3A_11 = arith.constant 0 : index
    %get3A_12 = arith.constant 0 : index
    %get3A_13 = vector.load %arg3[%get3A_11, %get3A_12] : memref<1x64xf32, #tpu.memory_space<vmem>>, vector<1x64xf32>
    %add3A = vector.broadcast %get3A_13 : vector<1x64xf32> to vector<256x64xf32>
    %add3A_14 = arith.addf %logistic3A_10, %add3A : vector<256x64xf32>
    %iota3A = tpu.iota {dimensions = array<i32: 1>} : vector<256x64xi32>
    %reduce_max3A = arith.constant dense<0xFF800000> : vector<256xf32>
    %reduce_max3A_15 = vector.multi_reduction <maximumf>, %add3A_14, %reduce_max3A [1] : vector<256x64xf32> to vector<256xf32>
    %broadcast_in_dim3A = vector.shape_cast %reduce_max3A_15 : vector<256xf32> to vector<256x1xf32>
    %eq3A = vector.broadcast %broadcast_in_dim3A : vector<256x1xf32> to vector<256x64xf32>
    %eq3A_16 = arith.cmpf oeq, %add3A_14, %eq3A : vector<256x64xf32>
    %jit3A = arith.constant 64 : i32
    %broadcast_in_dim3A_17 = vector.broadcast %jit3A : i32 to vector<256x64xi32>
    %select_n3A = arith.select %eq3A_16, %iota3A, %broadcast_in_dim3A_17 : vector<256x64xi1>, vector<256x64xi32>
    %reduce_min3A = arith.constant dense<2147483647> : vector<256xi32>
    %reduce_min3A_18 = vector.multi_reduction <minsi>, %select_n3A, %reduce_min3A [1] : vector<256x64xi32> to vector<256xi32>
    %broadcast_in_dim3A_19 = vector.shape_cast %reduce_min3A_18 : vector<256xi32> to vector<256x1xi32>
    %eq3A_20 = vector.broadcast %broadcast_in_dim3A_19 : vector<256x1xi32> to vector<256x64xi32>
    %eq3A_21 = arith.cmpi eq, %iota3A, %eq3A_20 : vector<256x64xi32>
    %jit3A_22 = arith.constant 0.000000e+00 : f32
    %broadcast_in_dim3A_23 = vector.broadcast %jit3A_22 : f32 to vector<256x64xf32>
    %select_n3A_24 = arith.select %eq3A_21, %logistic3A_10, %broadcast_in_dim3A_23 : vector<256x64xi1>, vector<256x64xf32>
    %reduce_sum3A = arith.constant dense<0.000000e+00> : vector<256xf32>
    %reduce_sum3A_25 = vector.multi_reduction <add>, %select_n3A_24, %reduce_sum3A [1] : vector<256x64xf32> to vector<256xf32>
    %broadcast_in_dim3A_26 = vector.shape_cast %reduce_sum3A_25 : vector<256xf32> to vector<256x1xf32>
    %jit3A_27 = arith.constant 0xFF800000 : f32
    %broadcast_in_dim3A_28 = vector.broadcast %jit3A_27 : f32 to vector<256x64xf32>
    %select_n3A_29 = arith.select %eq3A_21, %broadcast_in_dim3A_28, %add3A_14 : vector<256x64xi1>, vector<256x64xf32>
    %reduce_max3A_30 = arith.constant dense<0xFF800000> : vector<256xf32>
    %reduce_max3A_31 = vector.multi_reduction <maximumf>, %select_n3A_29, %reduce_max3A_30 [1] : vector<256x64xf32> to vector<256xf32>
    %broadcast_in_dim3A_32 = vector.shape_cast %reduce_max3A_31 : vector<256xf32> to vector<256x1xf32>
    %eq3A_33 = vector.broadcast %broadcast_in_dim3A_32 : vector<256x1xf32> to vector<256x64xf32>
    %eq3A_34 = arith.cmpf oeq, %select_n3A_29, %eq3A_33 : vector<256x64xf32>
    %jit3A_35 = arith.constant 64 : i32
    %broadcast_in_dim3A_36 = vector.broadcast %jit3A_35 : i32 to vector<256x64xi32>
    %select_n3A_37 = arith.select %eq3A_34, %iota3A, %broadcast_in_dim3A_36 : vector<256x64xi1>, vector<256x64xi32>
    %reduce_min3A_38 = arith.constant dense<2147483647> : vector<256xi32>
    %reduce_min3A_39 = vector.multi_reduction <minsi>, %select_n3A_37, %reduce_min3A_38 [1] : vector<256x64xi32> to vector<256xi32>
    %broadcast_in_dim3A_40 = vector.shape_cast %reduce_min3A_39 : vector<256xi32> to vector<256x1xi32>
    %eq3A_41 = vector.broadcast %broadcast_in_dim3A_40 : vector<256x1xi32> to vector<256x64xi32>
    %eq3A_42 = arith.cmpi eq, %iota3A, %eq3A_41 : vector<256x64xi32>
    %jit3A_43 = arith.constant 0.000000e+00 : f32
    %broadcast_in_dim3A_44 = vector.broadcast %jit3A_43 : f32 to vector<256x64xf32>
    %select_n3A_45 = arith.select %eq3A_42, %logistic3A_10, %broadcast_in_dim3A_44 : vector<256x64xi1>, vector<256x64xf32>
    %reduce_sum3A_46 = arith.constant dense<0.000000e+00> : vector<256xf32>
    %reduce_sum3A_47 = vector.multi_reduction <add>, %select_n3A_45, %reduce_sum3A_46 [1] : vector<256x64xf32> to vector<256xf32>
    %broadcast_in_dim3A_48 = vector.shape_cast %reduce_sum3A_47 : vector<256xf32> to vector<256x1xf32>
    %add3A_49 = arith.addf %broadcast_in_dim3A_26, %broadcast_in_dim3A_48 : vector<256x1xf32>
    %concatenate3A = tpu.concatenate %broadcast_in_dim3A_19, %broadcast_in_dim3A_40 in 1 : vector<256x1xi32>, vector<256x1xi32> -> vector<256x2xi32>
    %swap3A = arith.constant 0 : index
    %swap3A_50 = arith.constant 0 : index
    %swap3A_51 = vector.load %arg4[%swap3A, %swap3A_50] : memref<256x2xi32, #tpu.memory_space<vmem>>, vector<256x2xi32>
    tpu.vector_store %arg4[%swap3A, %swap3A_50], %concatenate3A {strides = array<i32>} : memref<256x2xi32, #tpu.memory_space<vmem>>, vector<256x2xi32>,
    %div3A = arith.divf %broadcast_in_dim3A_26, %add3A_49 : vector<256x1xf32>
    %div3A_52 = arith.divf %broadcast_in_dim3A_48, %add3A_49 : vector<256x1xf32>
    %concatenate3A_53 = tpu.concatenate %div3A, %div3A_52 in 1 : vector<256x1xf32>, vector<256x1xf32> -> vector<256x2xf32>
    %swap3A_54 = arith.constant 0 : index
    %swap3A_55 = arith.constant 0 : index
    %swap3A_56 = vector.load %arg5[%swap3A_54, %swap3A_55] : memref<256x2xf32, #tpu.memory_space<vmem>>, vector<256x2xf32>
    tpu.vector_store %arg5[%swap3A_54, %swap3A_55], %concatenate3A_53 {strides = array<i32>} : memref<256x2xf32, #tpu.memory_space<vmem>>, vector<256x2xf32>,
    %eq3A_57 = arith.constant 0 : i32
    %eq3A_58 = arith.cmpi eq, %arg0, %eq3A_57 : i32
    %convert_element_type3A = arith.extui %eq3A_58 : i1 to i32
    %cond3A = arith.constant 0 : i32
    %cond3A_59 = arith.cmpi ne, %convert_element_type3A, %cond3A : i32
    scf.if %cond3A_59 {
      %broadcast_in_dim3A_102 = arith.constant 0.000000e+00 : f32
      %broadcast_in_dim3A_103 = vector.broadcast %broadcast_in_dim3A_102 : f32 to vector<1x64xf32>
      %swap3A_104 = arith.constant 0 : index
      %swap3A_105 = arith.constant 0 : index
      %swap3A_106 = vector.load %arg8[%swap3A_104, %swap3A_105] : memref<1x64xf32, #tpu.memory_space<vmem>>, vector<1x64xf32>
      tpu.vector_store %arg8[%swap3A_104, %swap3A_105], %broadcast_in_dim3A_103 {strides = array<i32>} : memref<1x64xf32, #tpu.memory_space<vmem>>, vector<1x64xf32>,
    } else {
    }
    %convert_element_type3A_60 = arith.extui %eq3A_21 : vector<256x64xi1> to vector<256x64xi32>
    %convert_element_type3A_61 = arith.sitofp %convert_element_type3A_60 : vector<256x64xi32> to vector<256x64xf32>
    %convert_element_type3A_62 = arith.extui %eq3A_42 : vector<256x64xi1> to vector<256x64xi32>
    %convert_element_type3A_63 = arith.sitofp %convert_element_type3A_62 : vector<256x64xi32> to vector<256x64xf32>
    %add3A_64 = arith.addf %convert_element_type3A_61, %convert_element_type3A_63 : vector<256x64xf32>
    %iota3A_65 = tpu.iota {dimensions = array<i32: 0>} : vector<256x256xi32>
    %iota3A_66 = tpu.iota {dimensions = array<i32: 1>} : vector<256x256xi32>
    %lt3A = arith.cmpi slt, %iota3A_66, %iota3A_65 : vector<256x256xi32>
    %convert_element_type3A_67 = arith.extui %lt3A : vector<256x256xi1> to vector<256x256xi32>
    %convert_element_type3A_68 = arith.sitofp %convert_element_type3A_67 : vector<256x256xi32> to vector<256x256xf32>
    %dot_general3A_69 = arith.constant dense<0.000000e+00> : vector<256x64xf32>
    %dot_general3A_70 = tpu.matmul %convert_element_type3A_68, %add3A_64, %dot_general3A_69 {dimension_numbers = #tpu.dot_dimension_numbers<[1], [0], [0], [1], [0, 0, 1, 1], [], []>, transpose_lhs_hint = false} : vector<256x256xf32>, vector<256x64xf32>, vector<256x64xf32> -> vector<256x64xf32>
    %get3A_71 = arith.constant 0 : index
    %get3A_72 = arith.constant 0 : index
    %get3A_73 = vector.load %arg8[%get3A_71, %get3A_72] : memref<1x64xf32, #tpu.memory_space<vmem>>, vector<1x64xf32>
    %add3A_74 = vector.broadcast %get3A_73 : vector<1x64xf32> to vector<256x64xf32>
    %add3A_75 = arith.addf %dot_general3A_70, %add3A_74 : vector<256x64xf32>
    %jit3A_76 = arith.constant 0.000000e+00 : f32
    %broadcast_in_dim3A_77 = vector.broadcast %jit3A_76 : f32 to vector<256x64xf32>
    %select_n3A_78 = arith.select %eq3A_21, %add3A_75, %broadcast_in_dim3A_77 : vector<256x64xi1>, vector<256x64xf32>
    %reduce_sum3A_79 = arith.constant dense<0.000000e+00> : vector<256xf32>
    %reduce_sum3A_80 = vector.multi_reduction <add>, %select_n3A_78, %reduce_sum3A_79 [1] : vector<256x64xf32> to vector<256xf32>
    %broadcast_in_dim3A_81 = vector.shape_cast %reduce_sum3A_80 : vector<256xf32> to vector<256x1xf32>
    %jit3A_82 = arith.constant 0.000000e+00 : f32
    %broadcast_in_dim3A_83 = vector.broadcast %jit3A_82 : f32 to vector<256x64xf32>
    %select_n3A_84 = arith.select %eq3A_42, %add3A_75, %broadcast_in_dim3A_83 : vector<256x64xi1>, vector<256x64xf32>
    %reduce_sum3A_85 = arith.constant dense<0.000000e+00> : vector<256xf32>
    %reduce_sum3A_86 = vector.multi_reduction <add>, %select_n3A_84, %reduce_sum3A_85 [1] : vector<256x64xf32> to vector<256xf32>
    %broadcast_in_dim3A_87 = vector.shape_cast %reduce_sum3A_86 : vector<256xf32> to vector<256x1xf32>
    %concatenate3A_88 = tpu.concatenate %broadcast_in_dim3A_81, %broadcast_in_dim3A_87 in 1 : vector<256x1xf32>, vector<256x1xf32> -> vector<256x2xf32>
    %convert_element_type3A_89 = arith.fptosi %concatenate3A_88 : vector<256x2xf32> to vector<256x2xi32>
    %swap3A_90 = arith.constant 0 : index
    %swap3A_91 = arith.constant 0 : index
    %swap3A_92 = vector.load %arg6[%swap3A_90, %swap3A_91] : memref<256x2xi32, #tpu.memory_space<vmem>>, vector<256x2xi32>
    tpu.vector_store %arg6[%swap3A_90, %swap3A_91], %convert_element_type3A_89 {strides = array<i32>} : memref<256x2xi32, #tpu.memory_space<vmem>>, vector<256x2xi32>,
    %slice3A = vector.extract_strided_slice %add3A_75 {offsets = [255, 0], sizes = [1, 64], strides = [1, 1]} : vector<256x64xf32> to vector<1x64xf32>
    %slice3A_93 = vector.extract_strided_slice %add3A_64 {offsets = [255, 0], sizes = [1, 64], strides = [1, 1]} : vector<256x64xf32> to vector<1x64xf32>
    %add3A_94 = arith.addf %slice3A, %slice3A_93 : vector<1x64xf32>
    %swap3A_95 = arith.constant 0 : index
    %swap3A_96 = arith.constant 0 : index
    %swap3A_97 = vector.load %arg8[%swap3A_95, %swap3A_96] : memref<1x64xf32, #tpu.memory_space<vmem>>, vector<1x64xf32>
    tpu.vector_store %arg8[%swap3A_95, %swap3A_96], %add3A_94 {strides = array<i32>} : memref<1x64xf32, #tpu.memory_space<vmem>>, vector<1x64xf32>,
    %convert_element_type3A_98 = arith.fptosi %add3A_94 : vector<1x64xf32> to vector<1x64xi32>
    %swap3A_99 = arith.constant 0 : index
    %swap3A_100 = arith.constant 0 : index
    %swap3A_101 = vector.load %arg7[%swap3A_99, %swap3A_100] : memref<1x64xi32, #tpu.memory_space<vmem>>, vector<1x64xi32>
    tpu.vector_store %arg7[%swap3A_99, %swap3A_100], %convert_element_type3A_98 {strides = array<i32>} : memref<1x64xi32, #tpu.memory_space<vmem>>, vector<1x64xi32>,
    return
  }
  func.func @transform_0(%arg0: i32) -> (i32, i32) {
    %c0_i32 = arith.constant 0 : i32
    %c0_i32_0 = arith.constant 0 : i32
    return %arg0, %c0_i32 : i32, i32
  }
  func.func @transform_1(%arg0: i32) -> (i32, i32) {
    %c0_i32 = arith.constant 0 : i32
    %c0_i32_0 = arith.constant 0 : i32
    %c0_i32_1 = arith.constant 0 : i32
    return %c0_i32, %c0_i32_0 : i32, i32
  }
  func.func @transform_2(%arg0: i32) -> (i32, i32) {
    %c0_i32 = arith.constant 0 : i32
    %c0_i32_0 = arith.constant 0 : i32
    %c0_i32_1 = arith.constant 0 : i32
    return %c0_i32, %c0_i32_0 : i32, i32
  }
  func.func @transform_3(%arg0: i32) -> (i32, i32) {
    %c0_i32 = arith.constant 0 : i32
    %c0_i32_0 = arith.constant 0 : i32
    return %arg0, %c0_i32 : i32, i32
  }
  func.func @transform_4(%arg0: i32) -> (i32, i32) {
    %c0_i32 = arith.constant 0 : i32
    %c0_i32_0 = arith.constant 0 : i32
    return %arg0, %c0_i32 : i32, i32
  }
  func.func @transform_5(%arg0: i32) -> (i32, i32) {
    %c0_i32 = arith.constant 0 : i32
    %c0_i32_0 = arith.constant 0 : i32
    return %arg0, %c0_i32 : i32, i32
  }
  func.func @transform_6(%arg0: i32) -> (i32, i32) {
    %c0_i32 = arith.constant 0 : i32
    %c0_i32_0 = arith.constant 0 : i32
    %c0_i32_1 = arith.constant 0 : i32
    return %c0_i32, %c0_i32_0 : i32, i32
  }
}

module attributes {stable_mosaic.version = 14 : i64} {
  func.func @_mlp_body(%arg0: i32, %arg1: memref<96xi32, #tpu.memory_space<smem>>, %arg2: memref<1xi32, #tpu.memory_space<smem>>, %arg3: memref<128x1024xf32, #tpu.memory_space<vmem>>, %arg4: memref<1x1024x512xf32, #tpu.memory_space<vmem>>, %arg5: memref<1x1024x512xf32, #tpu.memory_space<vmem>>, %arg6: memref<1x512x1024xf32, #tpu.memory_space<vmem>>, %arg7: memref<128x1024xf32, #tpu.memory_space<vmem>>) attributes {dimension_semantics = [#tpu.dimension_semantics<arbitrary>], iteration_bounds = array<i64: 96>, scalar_prefetch = 2 : i64, scratch_operands = 0 : i64, tpu.core_type = #tpu.core_type<tc>, window_params = [{transform_indices = @transform_0, window_bounds = array<i64: 128, 1024>}, {transform_indices = @transform_1, window_bounds = array<i64: 1, 1024, 512>}, {transform_indices = @transform_2, window_bounds = array<i64: 1, 1024, 512>}, {transform_indices = @transform_3, window_bounds = array<i64: 1, 512, 1024>}, {transform_indices = @transform_4, window_bounds = array<i64: 128, 1024>}]} {
    %get3A = arith.constant 0 : index
    %get3A_0 = memref.load %arg2[%get3A] : memref<1xi32, #tpu.memory_space<smem>>
    %lt3A = arith.cmpi slt, %arg0, %get3A_0 : i32
    %convert_element_type3A = arith.extui %lt3A : i1 to i32
    %cond3A = arith.constant 0 : i32
    %cond3A_1 = arith.cmpi ne, %convert_element_type3A, %cond3A : i32
    scf.if %cond3A_1 {
      %get3A_2 = arith.constant 0 : index
      %get3A_3 = arith.constant 0 : index
      %get3A_4 = vector.load %arg3[%get3A_2, %get3A_3] : memref<128x1024xf32, #tpu.memory_space<vmem>>, vector<128x1024xf32>
      %get3A_5 = arith.constant 0 : index
      %get3A_6 = arith.constant 0 : index
      %get3A_7 = arith.constant 0 : index
      %get3A_8 = vector.load %arg4[%get3A_5, %get3A_6, %get3A_7] : memref<1x1024x512xf32, #tpu.memory_space<vmem>>, vector<1x1024x512xf32>
      %get3A_9 = vector.shape_cast %get3A_8 : vector<1x1024x512xf32> to vector<1024x512xf32>
      %dot_general3A = arith.constant dense<0.000000e+00> : vector<128x512xf32>
      %dot_general3A_10 = tpu.matmul %get3A_4, %get3A_9, %dot_general3A {dimension_numbers = #tpu.dot_dimension_numbers<[1], [0], [0], [1], [0, 0, 1, 1], [], []>, transpose_lhs_hint = false} : vector<128x1024xf32>, vector<1024x512xf32>, vector<128x512xf32> -> vector<128x512xf32>
      %logistic3A = arith.negf %dot_general3A_10 : vector<128x512xf32>
      %logistic3A_11 = math.exp %logistic3A : vector<128x512xf32>
      %logistic3A_12 = arith.constant 1.000000e+00 : f32
      %logistic3A_13 = vector.broadcast %logistic3A_12 : f32 to vector<128x512xf32>
      %logistic3A_14 = arith.addf %logistic3A_13, %logistic3A_11 : vector<128x512xf32>
      %logistic3A_15 = arith.divf %logistic3A_13, %logistic3A_14 : vector<128x512xf32>
      %mul3A = arith.mulf %dot_general3A_10, %logistic3A_15 : vector<128x512xf32>
      %get3A_16 = arith.constant 0 : index
      %get3A_17 = arith.constant 0 : index
      %get3A_18 = arith.constant 0 : index
      %get3A_19 = vector.load %arg5[%get3A_16, %get3A_17, %get3A_18] : memref<1x1024x512xf32, #tpu.memory_space<vmem>>, vector<1x1024x512xf32>
      %get3A_20 = vector.shape_cast %get3A_19 : vector<1x1024x512xf32> to vector<1024x512xf32>
      %dot_general3A_21 = arith.constant dense<0.000000e+00> : vector<128x512xf32>
      %dot_general3A_22 = tpu.matmul %get3A_4, %get3A_20, %dot_general3A_21 {dimension_numbers = #tpu.dot_dimension_numbers<[1], [0], [0], [1], [0, 0, 1, 1], [], []>, transpose_lhs_hint = false} : vector<128x1024xf32>, vector<1024x512xf32>, vector<128x512xf32> -> vector<128x512xf32>
      %mul3A_23 = arith.mulf %mul3A, %dot_general3A_22 : vector<128x512xf32>
      %get3A_24 = arith.constant 0 : index
      %get3A_25 = arith.constant 0 : index
      %get3A_26 = arith.constant 0 : index
      %get3A_27 = vector.load %arg6[%get3A_24, %get3A_25, %get3A_26] : memref<1x512x1024xf32, #tpu.memory_space<vmem>>, vector<1x512x1024xf32>
      %get3A_28 = vector.shape_cast %get3A_27 : vector<1x512x1024xf32> to vector<512x1024xf32>
      %dot_general3A_29 = arith.constant dense<0.000000e+00> : vector<128x1024xf32>
      %dot_general3A_30 = tpu.matmul %mul3A_23, %get3A_28, %dot_general3A_29 {dimension_numbers = #tpu.dot_dimension_numbers<[1], [0], [0], [1], [0, 0, 1, 1], [], []>, transpose_lhs_hint = false} : vector<128x512xf32>, vector<512x1024xf32>, vector<128x1024xf32> -> vector<128x1024xf32>
      %swap3A = arith.constant 0 : index
      %swap3A_31 = arith.constant 0 : index
      %swap3A_32 = vector.load %arg7[%swap3A, %swap3A_31] : memref<128x1024xf32, #tpu.memory_space<vmem>>, vector<128x1024xf32>
      tpu.vector_store %arg7[%swap3A, %swap3A_31], %dot_general3A_30 {strides = array<i32>} : memref<128x1024xf32, #tpu.memory_space<vmem>>, vector<128x1024xf32>,
    } else {
    }
    return
  }
  func.func @transform_0(%arg0: i32, %arg1: memref<96xi32, #tpu.memory_space<smem>>, %arg2: memref<1xi32, #tpu.memory_space<smem>>) -> (i32, i32) {
    %c0_i32 = arith.constant 0 : i32
    %c0_i32_0 = arith.constant 0 : i32
    return %arg0, %c0_i32 : i32, i32
  }
  func.func @transform_1(%arg0: i32, %arg1: memref<96xi32, #tpu.memory_space<smem>>, %arg2: memref<1xi32, #tpu.memory_space<smem>>) -> (i32, i32, i32) {
    %get3A = arith.index_cast %arg0 : i32 to index
    %get3A_0 = memref.load %arg1[%get3A] : memref<96xi32, #tpu.memory_space<smem>>
    %c0_i32 = arith.constant 0 : i32
    %c0_i32_1 = arith.constant 0 : i32
    %c0_i32_2 = arith.constant 0 : i32
    return %get3A_0, %c0_i32, %c0_i32_1 : i32, i32, i32
  }
  func.func @transform_2(%arg0: i32, %arg1: memref<96xi32, #tpu.memory_space<smem>>, %arg2: memref<1xi32, #tpu.memory_space<smem>>) -> (i32, i32, i32) {
    %get3A = arith.index_cast %arg0 : i32 to index
    %get3A_0 = memref.load %arg1[%get3A] : memref<96xi32, #tpu.memory_space<smem>>
    %c0_i32 = arith.constant 0 : i32
    %c0_i32_1 = arith.constant 0 : i32
    %c0_i32_2 = arith.constant 0 : i32
    return %get3A_0, %c0_i32, %c0_i32_1 : i32, i32, i32
  }
  func.func @transform_3(%arg0: i32, %arg1: memref<96xi32, #tpu.memory_space<smem>>, %arg2: memref<1xi32, #tpu.memory_space<smem>>) -> (i32, i32, i32) {
    %get3A = arith.index_cast %arg0 : i32 to index
    %get3A_0 = memref.load %arg1[%get3A] : memref<96xi32, #tpu.memory_space<smem>>
    %c0_i32 = arith.constant 0 : i32
    %c0_i32_1 = arith.constant 0 : i32
    %c0_i32_2 = arith.constant 0 : i32
    return %get3A_0, %c0_i32, %c0_i32_1 : i32, i32, i32
  }
  func.func @transform_4(%arg0: i32, %arg1: memref<96xi32, #tpu.memory_space<smem>>, %arg2: memref<1xi32, #tpu.memory_space<smem>>) -> (i32, i32) {
    %c0_i32 = arith.constant 0 : i32
    %c0_i32_0 = arith.constant 0 : i32
    return %arg0, %c0_i32 : i32, i32
  }
}

module attributes {stable_mosaic.version = 14 : i64} {
  func.func @_add_body(%arg0: i32, %arg1: memref<256x1024xf32, #tpu.memory_space<vmem>>, %arg2: memref<256x1024xf32, #tpu.memory_space<vmem>>, %arg3: memref<256x2xf32, #tpu.memory_space<vmem>>, %arg4: memref<256x1024xf32, #tpu.memory_space<vmem>>) attributes {dimension_semantics = [#tpu.dimension_semantics<arbitrary>], iteration_bounds = array<i64: 8>, scalar_prefetch = 0 : i64, scratch_operands = 0 : i64, tpu.core_type = #tpu.core_type<tc>, window_params = [{transform_indices = @transform_0, window_bounds = array<i64: 256, 1024>}, {transform_indices = @transform_1, window_bounds = array<i64: 256, 1024>}, {transform_indices = @transform_2, window_bounds = array<i64: 256, 2>}, {transform_indices = @transform_3, window_bounds = array<i64: 256, 1024>}]} {
    %get3A = arith.constant 0 : index
    %get3A_0 = arith.constant 0 : index
    %get3A_1 = vector.load %arg3[%get3A, %get3A_0] : memref<256x2xf32, #tpu.memory_space<vmem>>, vector<256x2xf32>
    %get3A_2 = arith.constant 0 : index
    %get3A_3 = arith.constant 0 : index
    %get3A_4 = vector.load %arg1[%get3A_2, %get3A_3] : memref<256x1024xf32, #tpu.memory_space<vmem>>, vector<256x1024xf32>
    %slice3A = vector.extract_strided_slice %get3A_1 {offsets = [0, 0], sizes = [256, 1], strides = [1, 1]} : vector<256x2xf32> to vector<256x1xf32>
    %mul3A = vector.broadcast %slice3A : vector<256x1xf32> to vector<256x1024xf32>
    %mul3A_5 = arith.mulf %get3A_4, %mul3A : vector<256x1024xf32>
    %get3A_6 = arith.constant 0 : index
    %get3A_7 = arith.constant 0 : index
    %get3A_8 = vector.load %arg2[%get3A_6, %get3A_7] : memref<256x1024xf32, #tpu.memory_space<vmem>>, vector<256x1024xf32>
    %slice3A_9 = vector.extract_strided_slice %get3A_1 {offsets = [0, 1], sizes = [256, 1], strides = [1, 1]} : vector<256x2xf32> to vector<256x1xf32>
    %mul3A_10 = vector.broadcast %slice3A_9 : vector<256x1xf32> to vector<256x1024xf32>
    %mul3A_11 = arith.mulf %get3A_8, %mul3A_10 : vector<256x1024xf32>
    %add3A = arith.addf %mul3A_5, %mul3A_11 : vector<256x1024xf32>
    %swap3A = arith.constant 0 : index
    %swap3A_12 = arith.constant 0 : index
    %swap3A_13 = vector.load %arg4[%swap3A, %swap3A_12] : memref<256x1024xf32, #tpu.memory_space<vmem>>, vector<256x1024xf32>
    tpu.vector_store %arg4[%swap3A, %swap3A_12], %add3A {strides = array<i32>} : memref<256x1024xf32, #tpu.memory_space<vmem>>, vector<256x1024xf32>,
    return
  }
  func.func @transform_0(%arg0: i32) -> (i32, i32) {
    %c0_i32 = arith.constant 0 : i32
    %c0_i32_0 = arith.constant 0 : i32
    return %arg0, %c0_i32 : i32, i32
  }
  func.func @transform_1(%arg0: i32) -> (i32, i32) {
    %add3A = arith.constant 8 : i32
    %add3A_0 = arith.addi %arg0, %add3A : i32
    %c0_i32 = arith.constant 0 : i32
    %c0_i32_1 = arith.constant 0 : i32
    return %add3A_0, %c0_i32 : i32, i32
  }
  func.func @transform_2(%arg0: i32) -> (i32, i32) {
    %c0_i32 = arith.constant 0 : i32
    %c0_i32_0 = arith.constant 0 : i32
    return %arg0, %c0_i32 : i32, i32
  }
  func.func @transform_3(%arg0: i32) -> (i32, i32) {
    %c0_i32 = arith.constant 0 : i32
    %c0_i32_0 = arith.constant 0 : i32
    return %arg0, %c0_i32 : i32, i32
  }
}

</mosaic_0001>

<sc_bundles>
// kernel: kernel.10.cloned.1.call-start
scs
__scs_entry_jumppad:
0x0: {  	(pc) =	sbr.rel $0x88, $3  }
0x1: {  	(tag) =	ssettag $0x0;
	lr =	simm.s32 $0x1  }
0x2: {  	[smem:$0x3F9B] =	sst lr;
	_ =	strace $0xD0000000  }
0x3: {  	_ = 	snop  }
0x4: {  	_ = 	snop  }
0x5: {  	_ = 	snop  }
0x6: {  	_ = 	snop  }
0x7: {  	_ = 	snop  }
__scs_overlays_trampoline_lowered:
0x8: {  	[smem:$0x3FAA] =	sst s0  }
0x9: {  	[smem:$0x3FAB] =	sst s1  }
0xa: {  	[smem:$0x3FAC] =	sst s2  }
0xb: {  	[smem:$0x3FAD] =	sst s3  }
0xc: {  	[smem:$0x3FAE] =	sst s4  }
0xd: {  	[smem:$0x3FAF] =	sst s5  }
0xe: {  	[smem:$0x3FB0] =	sst s6  }
0xf: {  	[smem:$0x3FB1] =	sst s7  }
0x10: {  	[smem:$0x3FB2] =	sst s8  }
0x11: {  	[smem:$0x3FB3] =	sst s9;
	s0 =	simm.s32 @!p0 $0x0  }
0x12: {  	s1 =	sld [smem:$0x3F99];
	s0 =	simm.s32 @p0 $0x1  }
0x13: {  	[smem:$0x3FB4] =	sst s0;
	s0 =	simm.s32 @!p1 $0x0  }
0x14: {  	s2 =	sld [smem:$0x3F98];
	s0 =	simm.s32 @p1 $0x1  }
0x15: {  	[smem:$0x3FB5] =	sst s0;
	s0 =	simm.s32 @!p2 $0x0  }
0x16: {  	s3 =	sld [smem:$0x3FDB];
	s0 =	simm.s32 @p2 $0x1  }
0x17: {  	s4 =	simm.s32 $0x1BF5;
	[smem:$0x3FB7] =	sst s0  }
0x18: {  	s0 =	sld [smem:$0x3F9A];
	_ =	swait.ge [sflag:s4], $0x0  }
0x19: {  	s7 =	sld [smem:$0x3F9B]  }
0x1a: {  	s8 =	sadd.s32 $0xFFFFE003, lr  }
0x1b: {  	s9 =	sadd.s32 $0xFFFFFEF7, lr;
	s5 =	simm.s32 $0xFFFFFFFF;
	p2 =	slt.u32 s8, $0xFFFFF086  }
0x1c: {  	p1 =	slt.u32 s9, $0xF7A;
	s5 =	simm.s32 @!p2 $0x0  }
0x1d: {  	s5 =	simm.s32 @p1 $0x1;
	p0 =	seq.s32 s7, s2  }
0x1e: {  	s7 =	smul.u32 @!p0 $0xF7A, s2;
	p2 =	seq.s32 @!p0 s5, $0x0  }
0x1f: {  	s9 =	smul.u32 $0xF7A, s1;
	s8 =	simm.s32 @!p0 $0x1BF5;
	p2 =	por !p2, p0  }
0x20: {  	[sflag:s8] =	ssyncset.s32 @!p0 $0xFFFFF086;
	s6 =	sadd.s32 @!p0 s3, s7;
	s7 =	simm.s32 @!p0 $0x108  }
0x21: {  	s3 =	sadd.s32 s3, s9;
	s6 =	sadd.s32 @!p0 $0x88, s6;
	s7 =	simm.s32 @p2 $0x1082  }
0x22: {  	[simem:s7], [sflag:s8] =	dma.local @!p0 [hbm:s6], $0xF7A  }
0x23: {  	s9 =	sor.u32 $0xD0000000, s2;
	s6 =	simm.s32 $0x108;
	_ =	swait.ge @!p0 [sflag:s8], $0x0  }
0x24: {  	s3 =	sadd.s32 $0x88, s3;
	s6 =	simm.s32 @!p1 $0x1082;
	[sflag:s4] =	ssyncset.s32 $0xFFFFF086  }
0x25: {  	[simem:s6], [sflag:s4] =	dma.local [hbm:s3], $0xF7A  }
0x26: {  	[smem:$0x3F9B] =	sst s1;
	(tag) =	ssettag s2;
	_ =	strace s9  }
0x27: {  	s1 =	sld [smem:$0x3FAB]  }
0x28: {  	s2 =	sld [smem:$0x3FAC]  }
0x29: {  	s4 =	sld [smem:$0x3FAE]  }
0x2a: {  	p0 =	seq.s32 s5, $0x0;
	s5 =	sld [smem:$0x3FAF]  }
0x2b: {  	s6 =	sld [smem:$0x3FB0]  }
0x2c: {  	s7 =	sld [smem:$0x3FB1]  }
0x2d: {  	s3 =	simm.s32 $0x108;
	s8 =	sld [smem:$0x3FB2]  }
0x2e: {  	s3 =	simm.s32 @!p0 $0x1082;
	s9 =	sld [smem:$0x3FB3]  }
0x2f: {  	lr =	sadd.s32 s0, s3;
	s0 =	sld [smem:$0x3FAA]  }
0x30: {  	s3 =	sld [smem:$0x3FAD]  }
0x31: {  	[smem:$0x3FB6] =	sst s10  }
0x32: {  	s10 =	sld [smem:$0x3FB4];
	_ =	sdelay $0x3  }
0x33: {  	p0 =	seq.s32 s10, $0x1;
	s10 =	sld [smem:$0x3FB6];
	_ =	sdelay $0x3  }
0x34: {  	[smem:$0x3FB6] =	sst s10  }
0x35: {  	s10 =	sld [smem:$0x3FB5];
	_ =	sdelay $0x3  }
0x36: {  	p1 =	seq.s32 s10, $0x1;
	s10 =	sld [smem:$0x3FB6];
	_ =	sdelay $0x3  }
0x37: {  	[smem:$0x3FB6] =	sst s10  }
0x38: {  	s10 =	sld [smem:$0x3FB7]  }
0x39: {  	_ = 	snop;
	(pc) =	sbr.ind lr, $3  }
0x3a: {  	_ = 	snop  }
0x3b: {  	_ = 	snop  }
0x3c: {  	p2 =	seq.s32 s10, $0x1;
	s10 =	sld [smem:$0x3FB6]  }
0x3d: {  	_ =	shalt  }
0x3e: {  	_ =	shalt  }
0x3f: {  	_ =	shalt  }
0x40: {  	_ =	shalt  }
0x41: {  	_ =	shalt  }
0x42: {  	_ =	shalt  }
0x43: {  	_ =	shalt  }
0x44: {  	_ =	shalt  }
0x45: {  	_ =	shalt  }
0x46: {  	_ =	shalt  }
0x47: {  	_ =	shalt  }
0x48: {  	_ =	shalt  }
0x49: {  	_ =	shalt  }
0x4a: {  	_ =	shalt  }
0x4b: {  	_ =	shalt  }
0x4c: {  	_ =	shalt  }
0x4d: {  	_ =	shalt  }
0x4e: {  	_ =	shalt  }
0x4f: {  	_ =	shalt  }
0x50: {  	_ =	shalt  }
0x51: {  	_ =	shalt  }
0x52: {  	_ =	shalt  }
0x53: {  	_ =	shalt  }
0x54: {  	_ =	shalt  }
0x55: {  	_ =	shalt  }
0x56: {  	_ =	shalt  }
0x57: {  	_ =	shalt  }
0x58: {  	_ =	shalt  }
0x59: {  	_ =	shalt  }
0x5a: {  	_ =	shalt  }
0x5b: {  	_ =	shalt  }
0x5c: {  	_ =	shalt  }
0x5d: {  	_ =	shalt  }
0x5e: {  	_ =	shalt  }
0x5f: {  	_ =	shalt  }
0x60: {  	_ =	shalt  }
0x61: {  	_ =	shalt  }
0x62: {  	_ =	shalt  }
0x63: {  	_ =	shalt  }
0x64: {  	_ =	shalt  }
0x65: {  	_ =	shalt  }
0x66: {  	_ =	shalt  }
0x67: {  	_ =	shalt  }
0x68: {  	_ =	shalt  }
0x69: {  	_ =	shalt  }
0x6a: {  	_ =	shalt  }
0x6b: {  	_ =	shalt  }
0x6c: {  	_ =	shalt  }
0x6d: {  	_ =	shalt  }
0x6e: {  	_ =	shalt  }
0x6f: {  	_ =	shalt  }
0x70: {  	_ =	shalt  }
0x71: {  	_ =	shalt  }
0x72: {  	_ =	shalt  }
0x73: {  	_ =	shalt  }
0x74: {  	_ =	shalt  }
0x75: {  	_ =	shalt  }
0x76: {  	_ =	shalt  }
0x77: {  	_ =	shalt  }
0x78: {  	_ =	shalt  }
0x79: {  	_ =	shalt  }
0x7a: {  	_ =	shalt  }
0x7b: {  	_ =	shalt  }
0x7c: {  	_ =	shalt  }
0x7d: {  	_ =	shalt  }
0x7e: {  	_ =	shalt  }
0x7f: {  	_ =	shalt  }
0x80: {  	_ =	shalt  }
0x81: {  	_ =	shalt  }
0x82: {  	_ =	shalt  }
0x83: {  	_ =	shalt  }
0x84: {  	_ =	shalt  }
0x85: {  	_ =	shalt  }
0x86: {  	_ =	shalt  }
0x87: {  	_ =	shalt  }
.Lfunc_end0:
.L_simem_size_0:
called_computation.1_lowered:
.L_overlay_start_0:
0x88: {  	s2 =	sld [smem:$0x3FD9]  }
0x89: {  	s3 =	sld [smem:$0x3FFE];
	_ =	sdelay $0x1  }
0x8a: {  	s1 =	srdreg.scid  }
0x8b: {  	s0 =	sand.u32 $0x1, s1  }
0x8c: {  	s16 =	sshll.u32 s0, $0xA;
	s2 =	sadd.s32 s3, s2  }
0x8d: {  	s2 =	sadd.s32 s2, s16  }
0x8e: {  	[smem:$0x3FC2] =	sst s2  }
0x8f: {  	_ = 	snop  }
0x90: {  	(tm) =	ssettm $0x1  }
0x91: {  	s17 =	sld [smem:$0x3FFB];
	_ =	sdelay $0x3  }
0x92: {  	_ =	strace s17  }
0x93: {  	s2 =	sld [smem:$0x3FFC];
	_ =	sdelay $0x3  }
0x94: {  	_ =	strace s2  }
0x95: {  	s2 =	sld [smem:$0x3FFD];
	_ =	sdelay $0x3  }
0x96: {  	_ =	strace s2  }
0x97: {  	_ =	strace $0x8FFFFFFF  }
0x98: {  	s18 =	sld [smem:$0x3FDB];
	_ =	sdelay $0x1  }
0x99: {  	s19 =	simm.s32 $_scs_section_size  }
0x9a: {  	s4 =	simm.s32 $_size__tile_overlayer_lowered;
	s5 =	simm.s32 $_tile_overlayer_lowered  }
0x9b: {  	s22 =	simm.s32 $0x1BFF;
	s21 =	sshll.u32 s5, $0x1;
	s2 =	sadd.s32 s19, s18  }
0x9c: {  	s6 =	simm.s32 $0x0;
	s20 =	sshll.u32 s4, $0x1;
	s4 =	sadd.s32 s21, s2  }
0x9d: {  	[timem:s6], [sflag:s22] =	dma.local [hbm:s4], s20  }
0x9e: {  	_ =	swait.ge [sflag:s22], s20  }
0x9f: {  	s3 =	ssub.s32 $0x0, s20;
	[sflag:s22] =	ssyncset.done $0x0  }
0xa0: {  	[sflag:s22] =	ssyncadd.s32 s3;
	_ =	sdelay $0x1  }
0xa1: {  	s23 =	simm.s32 $0x1B8B  }
0xa2: {  	_ =	swait.ge [sflag:s23], $0x1  }
0xa3: {  	[sflag:s23] =	ssyncset.done $0x0  }
0xa4: {  	s25 =	simm.s32 $0x1B8E;
	s24 =	sld [smem:$0x3FFE];
	[sflag:s23] =	ssyncadd.s32 $0xFFFFFFFF  }
0xa5: {  	s26 =	simm.s32 $execute0_lowered;
	[smem:$0x3FD2] =	sst s25  }
0xa6: {  	s4 =	sshll.u32 s26, $0x1;
	_ =	strace $0x80000049;
	[dreg:$0x1] =	wrdreg $0xFFFFFFFF  }
0xa7: {  	s28 =	simm.s32 $_size_execute0_lowered;
	s2 =	sadd.s32 s2, s4;
	[dreg:$0x0] =	wrdreg $0x0  }
0xa8: {  	s4 =	sshll.u32 s28, $0x1;
	[dreg:$0x2] =	wrdreg s2  }
0xa9: {  	[dreg:$0x3] =	wrdreg s4  }
0xaa: {  	[dreg:$0x4] =	wrdreg $0xC0  }
0xab: {  	_ =	task [dreg:s6], $0x5FFFF  }
0xac: {  	[dreg:$0x1] =	wrdreg $0xFFFFFFFF  }
0xad: {  	[dreg:$0x0] =	wrdreg $0x60  }
0xae: {  	[dreg:$0x2] =	wrdreg s24  }
0xaf: {  	[dreg:$0x3] =	wrdreg $0x9  }
0xb0: {  	_ =	task.clear_ibuf [dreg:s6], $0x4FFFF;
	_ =	strace $0x90000049  }
0xb1: {  	s29 =	simm.s32 $0x9;
	_ =	strace $0x8000004B  }
0xb2: {  	_ =	swait.ge [sflag:s29], $0x1  }
0xb3: {  	[sflag:s29] =	ssyncadd.s32 $0xFFFFFFFF  }
0xb4: {  	_ =	strace $0x9000004B  }
0xb5: {  	_ =	sfence  }
0xb6: {  	s30 =	sld [smem:$0x0];
	_ =	sdelay $0x2  }
0xb7: {  	s31 =	sshll.u32 s1, $0xD;
	s1 =	sshrl.u32 s1, $0x2  }
0xb8: {  	s3 =	sand.u32 $0x4000, s31;
	s1 =	sadd.s32 s1, s30  }
0xb9: {  	s0 =	sor.u32 s3, s0;
	s1 =	sshll.u32 s1, $0x11  }
0xba: {  	s0 =	sor.u32 s1, s0  }
0xbb: {  	s0 =	sadd.s32 $0x8F2B, s0  }
0xbc: {  	[sflag:s0] =	ssyncadd.remote.s32 $0x1  }
0xbd: {  	_ =	sfence.sel $0xFFFF  }
0xbe: {  	[dreg:$0x0] =	wrdreg $0xFFFFFFFF;
	(pc) =	sbr.abs _section_cstart, $3  }
0xbf: {  	[dreg:$0x1] =	wrdreg $0xFFFFFFFF  }
0xc0: {  	_ =	task.clear_ibuf [dreg:s6], $0x2FFFF;
	_ =	strace $0x9FFFFFFF  }
0xc1: {  	(tm) =	ssettm $0x7FFFFFFF  }
tec
execute0_lowered:
.L_overlay_start_1:
0x0: {  	(tag) =	ssettag $0x1  }
0x1: {  	s0 =	rddreg [dreg:$0x0]  }
0x2: {  	s1 =	srdreg.scid;
	s3 =	stileid.u32;
	s2 =	simm.s32 $0x0  }
0x3: {  	s9 =	simm.s32 $0x2;
	s19 =	simm.s32 $0x1;
	s21 =	simm.s32 $0x900  }
0x4: {  	s22 =	simm.s32 $0x1100;
	s23 =	simm.s32 $0x1900;
	s24 =	simm.s32 $0x2100  }
0x5: {  	s28 =	simm.s32 $0x3900;
	s29 =	simm.s32 $0x4100;
	s30 =	simm.s32 $0x4900  }
0x6: {  	s31 =	simm.s32 $0x5100;
	s11 =	simm.s32 $0x6900;
	s12 =	simm.s32 $0x7100  }
0x7: {  	s13 =	simm.s32 $0x7900;
	s14 =	simm.s32 $0x8900;
	s15 =	simm.s32 $0x9100  }
0x8: {  	s16 =	simm.s32 $0x9900;
	s17 =	simm.s32 $0xA100;
	s18 =	simm.s32 $0xA900  }
0x9: {  	s1 =	sand.u32 $0x1, s1;
	s3 =	sshll.u32 s3, $0x1;
	[smem:$0x7FF] =	sst s2  }
0xa: {  	s10 =	simm.s32 $0xB100;
	s4 =	sor.u32 s1, s3;
	_ =	strace $0x8000004A  }
0xb: {  	s1 =	ssub.s32 $0x2, s1;
	s3 =	sadd.s32 $0x180C00, s0;
	s5 =	sshll.u32 s4, $0x5  }
0xc: {  	s6 =	sshrl.u32 s1, $0x1;
	s7 =	sshll.u32 s4, $0xE;
	s4 =	sadd.s32 $0x180D00, s0  }
0xd: {  	s5 =	sadd.s32 s5, s0;
	s8 =	sadd.s32 s0, s7;
	s7 =	sadd.s32 $0x180F00, s0  }
0xe: {  	s1 =	ssub.s32 s1, s6;
	s6 =	simm.s32 $0x8100;
	s25 =	sadd.s32 $0x180800, s5  }
0xf: {  	v2 =	vlaneseq.u32;
	s5 =	sadd.s32 $0x180E00, s0;
	[dreg:$0x4] =	wrdreg s8;
	s26 =	sadd.s32 $0x2000, s8  }
0x10: {  	vm0 =	vmmov $0xffff;
	v1 =	vshrl.u32 v2, $0x3;
	s8 =	smax.u32 s1, $0x1;
	s0 =	simm.s32 $0x100;
	[dreg:$0x2] =	wrdreg s25  }
0x11: {  	v0 =	vand.u32 $0x7, v2;
	v2 =	vor.u32 $0x8, v2;
	v1 =	vmul.u32 $0x8, v1;
	[dreg:$0x3] =	wrdreg s26;
	s25 =	simm.s32 $0x2900;
	s26 =	simm.s32 $0x3100  }
.LBB2_1:
0x12: {  	s20 =	rddreg [dreg:$0x2]  }
0x13: {  	[tilespmem:s2], [sflag:$0x2] =	stream.linear.gather [hbm4b:s20+s2], $0x100, $0x38;
	[tilespmem:$0x10100] =	vst v63  }
0x14: {  	_ =	swait.ge [sflag:s9], $0x100  }
0x15: {  	[sflag:s9] =	ssyncset.done $0x0  }
0x16: {  	[sflag:s9] =	ssyncadd.s32 $0xFFFFFF00  }
0x17: {  	v3 =	vld [tilespmem:$0x0];
	_ =	sdelay $0x4  }
0x18: {  	v4 =	vshll.u32 v3, $0x3  }
0x19: {  	v3 =	vand.u32 $0x7, v3;
	v4 =	vand.u32 $0xFFFFFFC0, v4  }
0x1a: {  	v3 =	vor.u32 v3, v4  }
0x1b: {  	v4 =	vperm.xlane v3, v0;
	_ =	sdelay $0x1  }
0x1c: {  	v4 =	vadd.s32 v1, v4;
	_ =	sdelay $0x4  }
0x1d: {  	[tilespmem:s0], [sflag:$0x1] =	stream.indirect_vreg.gather [hbm4b:s3+s2], $0x80, v4, vm0, $0xb8;
	[tilespmem:$0x10100] =	vst v63  }
0x1e: {  	v3 =	vperm.xlane v3, v2  }
0x1f: {  	[tilespmem:s21], [sflag:$0x1] =	stream.indirect_vreg.gather [hbm4b:s4+s2], $0x80, v4, vm0, $0xb8;
	[tilespmem:$0x10100] =	vst v63  }
0x20: {  	v3 =	vadd.s32 v1, v3  }
0x21: {  	[tilespmem:s22], [sflag:$0x1] =	stream.indirect_vreg.gather [hbm4b:s5+s2], $0x80, v4, vm0, $0xb8;
	[tilespmem:$0x10100] =	vst v63  }
0x22: {  	_ = 	snop  }
0x23: {  	[tilespmem:s23], [sflag:$0x1] =	stream.indirect_vreg.gather [hbm4b:s7+s2], $0x80, v4, vm0, $0xb8;
	[tilespmem:$0x10100] =	vst v63  }
0x24: {  	_ = 	snop  }
0x25: {  	[tilespmem:s24], [sflag:$0x1] =	stream.indirect_vreg.gather [hbm4b:s3+s2], $0x80, v3, vm0, $0xb8;
	[tilespmem:$0x10100] =	vst v63  }
0x26: {  	_ = 	snop  }
0x27: {  	[tilespmem:s25], [sflag:$0x1] =	stream.indirect_vreg.gather [hbm4b:s4+s2], $0x80, v3, vm0, $0xb8;
	[tilespmem:$0x10100] =	vst v63  }
0x28: {  	_ = 	snop  }
0x29: {  	[tilespmem:s26], [sflag:$0x1] =	stream.indirect_vreg.gather [hbm4b:s5+s2], $0x80, v3, vm0, $0xb8;
	[tilespmem:$0x10100] =	vst v63  }
0x2a: {  	_ = 	snop  }
0x2b: {  	[tilespmem:s28], [sflag:$0x1] =	stream.indirect_vreg.gather [hbm4b:s7+s2], $0x80, v3, vm0, $0xb8;
	[tilespmem:$0x10100] =	vst v63  }
0x2c: {  	v3 =	vld [tilespmem:$0x10];
	_ =	sdelay $0x4  }
0x2d: {  	v57 =	vshll.u32 v3, $0x3  }
0x2e: {  	v3 =	vand.u32 $0x7, v3;
	v4 =	vand.u32 $0xFFFFFFC0, v57  }
0x2f: {  	v3 =	vor.u32 v3, v4  }
0x30: {  	v4 =	vperm.xlane v3, v0;
	_ =	sdelay $0x1  }
0x31: {  	v4 =	vadd.s32 v1, v4;
	_ =	sdelay $0x4  }
0x32: {  	[tilespmem:s29], [sflag:$0x1] =	stream.indirect_vreg.gather [hbm4b:s3+s2], $0x80, v4, vm0, $0xb8;
	[tilespmem:$0x10100] =	vst v63  }
0x33: {  	v3 =	vperm.xlane v3, v2  }
0x34: {  	[tilespmem:s30], [sflag:$0x1] =	stream.indirect_vreg.gather [hbm4b:s4+s2], $0x80, v4, vm0, $0xb8;
	[tilespmem:$0x10100] =	vst v63  }
0x35: {  	v3 =	vadd.s32 v1, v3  }
0x36: {  	[tilespmem:s31], [sflag:$0x1] =	stream.indirect_vreg.gather [hbm4b:s5+s2], $0x80, v4, vm0, $0xb8;
	[tilespmem:$0x10100] =	vst v63  }
0x37: {  	s1 =	simm.s32 $0x5900  }
0x38: {  	[tilespmem:s1], [sflag:$0x1] =	stream.indirect_vreg.gather [hbm4b:s7+s2], $0x80, v4, vm0, $0xb8;
	[tilespmem:$0x10100] =	vst v63  }
0x39: {  	s1 =	simm.s32 $0x6100  }
0x3a: {  	[tilespmem:s1], [sflag:$0x1] =	stream.indirect_vreg.gather [hbm4b:s3+s2], $0x80, v3, vm0, $0xb8;
	[tilespmem:$0x10100] =	vst v63  }
0x3b: {  	_ = 	snop  }
0x3c: {  	[tilespmem:s11], [sflag:$0x1] =	stream.indirect_vreg.gather [hbm4b:s4+s2], $0x80, v3, vm0, $0xb8;
	[tilespmem:$0x10100] =	vst v63  }
0x3d: {  	_ = 	snop  }
0x3e: {  	[tilespmem:s12], [sflag:$0x1] =	stream.indirect_vreg.gather [hbm4b:s5+s2], $0x80, v3, vm0, $0xb8;
	[tilespmem:$0x10100] =	vst v63  }
0x3f: {  	_ = 	snop  }
0x40: {  	[tilespmem:s13], [sflag:$0x1] =	stream.indirect_vreg.gather [hbm4b:s7+s2], $0x80, v3, vm0, $0xb8;
	[tilespmem:$0x10100] =	vst v63  }
0x41: {  	v3 =	vld [tilespmem:$0x20];
	_ =	sdelay $0x4  }
0x42: {  	v58 =	vshll.u32 v3, $0x3  }
0x43: {  	v3 =	vand.u32 $0x7, v3;
	v4 =	vand.u32 $0xFFFFFFC0, v58  }
0x44: {  	v3 =	vor.u32 v3, v4  }
0x45: {  	v4 =	vperm.xlane v3, v0;
	_ =	sdelay $0x1  }
0x46: {  	v4 =	vadd.s32 v1, v4;
	_ =	sdelay $0x4  }
0x47: {  	[tilespmem:s6], [sflag:$0x1] =	stream.indirect_vreg.gather [hbm4b:s3+s2], $0x80, v4, vm0, $0xb8;
	[tilespmem:$0x10100] =	vst v63  }
0x48: {  	v3 =	vperm.xlane v3, v2  }
0x49: {  	[tilespmem:s14], [sflag:$0x1] =	stream.indirect_vreg.gather [hbm4b:s4+s2], $0x80, v4, vm0, $0xb8;
	[tilespmem:$0x10100] =	vst v63  }
0x4a: {  	v3 =	vadd.s32 v1, v3  }
0x4b: {  	[tilespmem:s15], [sflag:$0x1] =	stream.indirect_vreg.gather [hbm4b:s5+s2], $0x80, v4, vm0, $0xb8;
	[tilespmem:$0x10100] =	vst v63  }
0x4c: {  	_ = 	snop  }
0x4d: {  	[tilespmem:s16], [sflag:$0x1] =	stream.indirect_vreg.gather [hbm4b:s7+s2], $0x80, v4, vm0, $0xb8;
	[tilespmem:$0x10100] =	vst v63  }
0x4e: {  	_ = 	snop  }
0x4f: {  	[tilespmem:s17], [sflag:$0x1] =	stream.indirect_vreg.gather [hbm4b:s3+s2], $0x80, v3, vm0, $0xb8;
	[tilespmem:$0x10100] =	vst v63  }
0x50: {  	_ = 	snop  }
0x51: {  	[tilespmem:s18], [sflag:$0x1] =	stream.indirect_vreg.gather [hbm4b:s4+s2], $0x80, v3, vm0, $0xb8;
	[tilespmem:$0x10100] =	vst v63  }
0x52: {  	_ = 	snop  }
0x53: {  	[tilespmem:s10], [sflag:$0x1] =	stream.indirect_vreg.gather [hbm4b:s5+s2], $0x80, v3, vm0, $0xb8;
	[tilespmem:$0x10100] =	vst v63  }
0x54: {  	s20 =	simm.s32 $0xB900  }
0x55: {  	[tilespmem:s20], [sflag:$0x1] =	stream.indirect_vreg.gather [hbm4b:s7+s2], $0x80, v3, vm0, $0xb8;
	[tilespmem:$0x10100] =	vst v63  }
0x56: {  	v3 =	vld [tilespmem:$0x30];
	_ =	sdelay $0x4  }
0x57: {  	v59 =	vshll.u32 v3, $0x3  }
0x58: {  	v3 =	vand.u32 $0x7, v3;
	v4 =	vand.u32 $0xFFFFFFC0, v59  }
0x59: {  	v3 =	vor.u32 v3, v4  }
0x5a: {  	v4 =	vperm.xlane v3, v0;
	_ =	sdelay $0x1  }
0x5b: {  	v4 =	vadd.s32 v1, v4;
	_ =	sdelay $0x3  }
0x5c: {  	s20 =	simm.s32 $0xC100  }
0x5d: {  	[tilespmem:s20], [sflag:$0x1] =	stream.indirect_vreg.gather [hbm4b:s3+s2], $0x80, v4, vm0, $0xb8;
	[tilespmem:$0x10100] =	vst v63  }
0x5e: {  	v3 =	vperm.xlane v3, v2;
	s20 =	simm.s32 $0xC900  }
0x5f: {  	[tilespmem:s20], [sflag:$0x1] =	stream.indirect_vreg.gather [hbm4b:s4+s2], $0x80, v4, vm0, $0xb8;
	[tilespmem:$0x10100] =	vst v63  }
0x60: {  	v3 =	vadd.s32 v1, v3;
	s20 =	simm.s32 $0xD100  }
0x61: {  	[tilespmem:s20], [sflag:$0x1] =	stream.indirect_vreg.gather [hbm4b:s5+s2], $0x80, v4, vm0, $0xb8;
	[tilespmem:$0x10100] =	vst v63  }
0x62: {  	s20 =	simm.s32 $0xD900  }
0x63: {  	[tilespmem:s20], [sflag:$0x1] =	stream.indirect_vreg.gather [hbm4b:s7+s2], $0x80, v4, vm0, $0xb8;
	[tilespmem:$0x10100] =	vst v63  }
0x64: {  	s20 =	simm.s32 $0xE100  }
0x65: {  	[tilespmem:s20], [sflag:$0x1] =	stream.indirect_vreg.gather [hbm4b:s3+s2], $0x80, v3, vm0, $0xb8;
	[tilespmem:$0x10100] =	vst v63  }
0x66: {  	s20 =	simm.s32 $0xE900  }
0x67: {  	[tilespmem:s20], [sflag:$0x1] =	stream.indirect_vreg.gather [hbm4b:s4+s2], $0x80, v3, vm0, $0xb8;
	[tilespmem:$0x10100] =	vst v63  }
0x68: {  	s20 =	simm.s32 $0xF100  }
0x69: {  	[tilespmem:s20], [sflag:$0x1] =	stream.indirect_vreg.gather [hbm4b:s5+s2], $0x80, v3, vm0, $0xb8;
	[tilespmem:$0x10100] =	vst v63  }
0x6a: {  	s20 =	simm.s32 $0xF900  }
0x6b: {  	[tilespmem:s20], [sflag:$0x1] =	stream.indirect_vreg.gather [hbm4b:s7+s2], $0x80, v3, vm0, $0xb8;
	[tilespmem:$0x10100] =	vst v63  }
0x6c: {  	_ =	swait.ge [sflag:s19], $0x10000  }
0x6d: {  	[sflag:s19] =	ssyncset.done $0x0  }
0x6e: {  	s20 =	rddreg [dreg:$0x4];
	[sflag:s19] =	ssyncadd.s32 $0xFFFF0000  }
0x6f: {  	[hbm4b:s20+s2] =	stream.linear.scatter [tilespmem:s0], [sflag:$0x2], $0x10000, $0x38;
	[tilespmem:$0x10100] =	vst v63  }
0x70: {  	_ =	swait.ge [sflag:s9], $0x10000  }
0x71: {  	[sflag:s9] =	ssyncset.done $0x0  }
0x72: {  	[sflag:s9] =	ssyncadd.s32 $0xFFFF0000  }
0x73: {  	v3 =	vld [tilespmem:$0x80];
	_ =	sdelay $0x4  }
0x74: {  	v60 =	vshll.u32 v3, $0x3  }
0x75: {  	v3 =	vand.u32 $0x7, v3;
	v4 =	vand.u32 $0xFFFFFFC0, v60  }
0x76: {  	v3 =	vor.u32 v3, v4  }
0x77: {  	v4 =	vperm.xlane v3, v0;
	_ =	sdelay $0x1  }
0x78: {  	v4 =	vadd.s32 v1, v4;
	_ =	sdelay $0x4  }
0x79: {  	[tilespmem:s0], [sflag:$0x1] =	stream.indirect_vreg.gather [hbm4b:s3+s2], $0x80, v4, vm0, $0xb8;
	[tilespmem:$0x10100] =	vst v63  }
0x7a: {  	v3 =	vperm.xlane v3, v2  }
0x7b: {  	[tilespmem:s21], [sflag:$0x1] =	stream.indirect_vreg.gather [hbm4b:s4+s2], $0x80, v4, vm0, $0xb8;
	[tilespmem:$0x10100] =	vst v63  }
0x7c: {  	v3 =	vadd.s32 v1, v3  }
0x7d: {  	[tilespmem:s22], [sflag:$0x1] =	stream.indirect_vreg.gather [hbm4b:s5+s2], $0x80, v4, vm0, $0xb8;
	[tilespmem:$0x10100] =	vst v63  }
0x7e: {  	_ = 	snop  }
0x7f: {  	[tilespmem:s23], [sflag:$0x1] =	stream.indirect_vreg.gather [hbm4b:s7+s2], $0x80, v4, vm0, $0xb8;
	[tilespmem:$0x10100] =	vst v63  }
0x80: {  	_ = 	snop  }
0x81: {  	[tilespmem:s24], [sflag:$0x1] =	stream.indirect_vreg.gather [hbm4b:s3+s2], $0x80, v3, vm0, $0xb8;
	[tilespmem:$0x10100] =	vst v63  }
0x82: {  	_ = 	snop  }
0x83: {  	[tilespmem:s25], [sflag:$0x1] =	stream.indirect_vreg.gather [hbm4b:s4+s2], $0x80, v3, vm0, $0xb8;
	[tilespmem:$0x10100] =	vst v63  }
0x84: {  	_ = 	snop  }
0x85: {  	[tilespmem:s26], [sflag:$0x1] =	stream.indirect_vreg.gather [hbm4b:s5+s2], $0x80, v3, vm0, $0xb8;
	[tilespmem:$0x10100] =	vst v63  }
0x86: {  	_ = 	snop  }
0x87: {  	[tilespmem:s28], [sflag:$0x1] =	stream.indirect_vreg.gather [hbm4b:s7+s2], $0x80, v3, vm0, $0xb8;
	[tilespmem:$0x10100] =	vst v63  }
0x88: {  	v3 =	vld [tilespmem:$0x90];
	_ =	sdelay $0x4  }
0x89: {  	v61 =	vshll.u32 v3, $0x3  }
0x8a: {  	v3 =	vand.u32 $0x7, v3;
	v4 =	vand.u32 $0xFFFFFFC0, v61  }
0x8b: {  	v3 =	vor.u32 v3, v4  }
0x8c: {  	v4 =	vperm.xlane v3, v0;
	_ =	sdelay $0x1  }
0x8d: {  	v4 =	vadd.s32 v1, v4;
	_ =	sdelay $0x4  }
0x8e: {  	[tilespmem:s29], [sflag:$0x1] =	stream.indirect_vreg.gather [hbm4b:s3+s2], $0x80, v4, vm0, $0xb8;
	[tilespmem:$0x10100] =	vst v63  }
0x8f: {  	v3 =	vperm.xlane v3, v2  }
0x90: {  	[tilespmem:s30], [sflag:$0x1] =	stream.indirect_vreg.gather [hbm4b:s4+s2], $0x80, v4, vm0, $0xb8;
	[tilespmem:$0x10100] =	vst v63  }
0x91: {  	v3 =	vadd.s32 v1, v3  }
0x92: {  	[tilespmem:s31], [sflag:$0x1] =	stream.indirect_vreg.gather [hbm4b:s5+s2], $0x80, v4, vm0, $0xb8;
	[tilespmem:$0x10100] =	vst v63  }
0x93: {  	s20 =	simm.s32 $0x5900  }
0x94: {  	[tilespmem:s20], [sflag:$0x1] =	stream.indirect_vreg.gather [hbm4b:s7+s2], $0x80, v4, vm0, $0xb8;
	[tilespmem:$0x10100] =	vst v63  }
0x95: {  	_ = 	snop  }
0x96: {  	[tilespmem:s1], [sflag:$0x1] =	stream.indirect_vreg.gather [hbm4b:s3+s2], $0x80, v3, vm0, $0xb8;
	[tilespmem:$0x10100] =	vst v63  }
0x97: {  	_ = 	snop  }
0x98: {  	[tilespmem:s11], [sflag:$0x1] =	stream.indirect_vreg.gather [hbm4b:s4+s2], $0x80, v3, vm0, $0xb8;
	[tilespmem:$0x10100] =	vst v63  }
0x99: {  	_ = 	snop  }
0x9a: {  	[tilespmem:s12], [sflag:$0x1] =	stream.indirect_vreg.gather [hbm4b:s5+s2], $0x80, v3, vm0, $0xb8;
	[tilespmem:$0x10100] =	vst v63  }
0x9b: {  	_ = 	snop  }
0x9c: {  	[tilespmem:s13], [sflag:$0x1] =	stream.indirect_vreg.gather [hbm4b:s7+s2], $0x80, v3, vm0, $0xb8;
	[tilespmem:$0x10100] =	vst v63  }
0x9d: {  	v3 =	vld [tilespmem:$0xA0];
	_ =	sdelay $0x4  }
0x9e: {  	v62 =	vshll.u32 v3, $0x3  }
0x9f: {  	v3 =	vand.u32 $0x7, v3;
	v4 =	vand.u32 $0xFFFFFFC0, v62  }
0xa0: {  	v3 =	vor.u32 v3, v4  }
0xa1: {  	v4 =	vperm.xlane v3, v0;
	_ =	sdelay $0x1  }
0xa2: {  	v4 =	vadd.s32 v1, v4;
	_ =	sdelay $0x4  }
0xa3: {  	[tilespmem:s6], [sflag:$0x1] =	stream.indirect_vreg.gather [hbm4b:s3+s2], $0x80, v4, vm0, $0xb8;
	[tilespmem:$0x10100] =	vst v63  }
0xa4: {  	v3 =	vperm.xlane v3, v2  }
0xa5: {  	[tilespmem:s14], [sflag:$0x1] =	stream.indirect_vreg.gather [hbm4b:s4+s2], $0x80, v4, vm0, $0xb8;
	[tilespmem:$0x10100] =	vst v63  }
0xa6: {  	v3 =	vadd.s32 v1, v3  }
0xa7: {  	[tilespmem:s15], [sflag:$0x1] =	stream.indirect_vreg.gather [hbm4b:s5+s2], $0x80, v4, vm0, $0xb8;
	[tilespmem:$0x10100] =	vst v63  }
0xa8: {  	_ = 	snop  }
0xa9: {  	[tilespmem:s16], [sflag:$0x1] =	stream.indirect_vreg.gather [hbm4b:s7+s2], $0x80, v4, vm0, $0xb8;
	[tilespmem:$0x10100] =	vst v63  }
0xaa: {  	_ = 	snop  }
0xab: {  	[tilespmem:s17], [sflag:$0x1] =	stream.indirect_vreg.gather [hbm4b:s3+s2], $0x80, v3, vm0, $0xb8;
	[tilespmem:$0x10100] =	vst v63  }
0xac: {  	_ = 	snop  }
0xad: {  	[tilespmem:s18], [sflag:$0x1] =	stream.indirect_vreg.gather [hbm4b:s4+s2], $0x80, v3, vm0, $0xb8;
	[tilespmem:$0x10100] =	vst v63  }
0xae: {  	_ = 	snop  }
0xaf: {  	[tilespmem:s10], [sflag:$0x1] =	stream.indirect_vreg.gather [hbm4b:s5+s2], $0x80, v3, vm0, $0xb8;
	[tilespmem:$0x10100] =	vst v63  }
0xb0: {  	s20 =	simm.s32 $0xB900  }
0xb1: {  	[tilespmem:s20], [sflag:$0x1] =	stream.indirect_vreg.gather [hbm4b:s7+s2], $0x80, v3, vm0, $0xb8;
	[tilespmem:$0x10100] =	vst v63  }
0xb2: {  	v3 =	vld [tilespmem:$0xB0];
	_ =	sdelay $0x4  }
0xb3: {  	v63 =	vshll.u32 v3, $0x3  }
0xb4: {  	v3 =	vand.u32 $0x7, v3;
	v4 =	vand.u32 $0xFFFFFFC0, v63  }
0xb5: {  	v3 =	vor.u32 v3, v4  }
0xb6: {  	v4 =	vperm.xlane v3, v0;
	_ =	sdelay $0x1  }
0xb7: {  	v4 =	vadd.s32 v1, v4;
	_ =	sdelay $0x3  }
0xb8: {  	s20 =	simm.s32 $0xC100  }
0xb9: {  	[tilespmem:s20], [sflag:$0x1] =	stream.indirect_vreg.gather [hbm4b:s3+s2], $0x80, v4, vm0, $0xb8;
	[tilespmem:$0x10100] =	vst v63  }
0xba: {  	v3 =	vperm.xlane v3, v2;
	s20 =	simm.s32 $0xC900  }
0xbb: {  	[tilespmem:s20], [sflag:$0x1] =	stream.indirect_vreg.gather [hbm4b:s4+s2], $0x80, v4, vm0, $0xb8;
	[tilespmem:$0x10100] =	vst v63  }
0xbc: {  	v3 =	vadd.s32 v1, v3;
	s20 =	simm.s32 $0xD100  }
0xbd: {  	[tilespmem:s20], [sflag:$0x1] =	stream.indirect_vreg.gather [hbm4b:s5+s2], $0x80, v4, vm0, $0xb8;
	[tilespmem:$0x10100] =	vst v63  }
0xbe: {  	s20 =	simm.s32 $0xD900  }
0xbf: {  	[tilespmem:s20], [sflag:$0x1] =	stream.indirect_vreg.gather [hbm4b:s7+s2], $0x80, v4, vm0, $0xb8;
	[tilespmem:$0x10100] =	vst v63  }
0xc0: {  	s20 =	simm.s32 $0xE100  }
0xc1: {  	[tilespmem:s20], [sflag:$0x1] =	stream.indirect_vreg.gather [hbm4b:s3+s2], $0x80, v3, vm0, $0xb8;
	[tilespmem:$0x10100] =	vst v63  }
0xc2: {  	s20 =	simm.s32 $0xE900  }
0xc3: {  	[tilespmem:s20], [sflag:$0x1] =	stream.indirect_vreg.gather [hbm4b:s4+s2], $0x80, v3, vm0, $0xb8;
	[tilespmem:$0x10100] =	vst v63  }
0xc4: {  	s20 =	simm.s32 $0xF100  }
0xc5: {  	[tilespmem:s20], [sflag:$0x1] =	stream.indirect_vreg.gather [hbm4b:s5+s2], $0x80, v3, vm0, $0xb8;
	[tilespmem:$0x10100] =	vst v63  }
0xc6: {  	s20 =	simm.s32 $0xF900  }
0xc7: {  	[tilespmem:s20], [sflag:$0x1] =	stream.indirect_vreg.gather [hbm4b:s7+s2], $0x80, v3, vm0, $0xb8;
	[tilespmem:$0x10100] =	vst v63  }
0xc8: {  	_ =	swait.ge [sflag:s19], $0x10000  }
0xc9: {  	p0 =	sne.s32 s8, $0x1;
	[sflag:s19] =	ssyncset.done $0x0  }
.Ltmp0:
0xca: {  	s1 =	rddreg [dreg:$0x3];
	[sflag:s19] =	ssyncadd.s32 $0xFFFF0000;
	(pc) =	sbr.rel @p0 .LBB2_1-.Ltmp0, $4  }
0xcb: {  	[hbm4b:s1+s2] =	stream.linear.scatter [tilespmem:s0], [sflag:$0x2], $0x10000, $0x38;
	[tilespmem:$0x10100] =	vst v63  }
0xcc: {  	_ =	swait.ge [sflag:s9], $0x10000  }
0xcd: {  	[sflag:s9] =	ssyncset.done $0x0  }
0xce: {  	s8 =	sadd.s32 $0xFFFFFFFF, s8;
	[sflag:s9] =	ssyncadd.s32 $0xFFFF0000  }
0xcf: {  	_ =	sfence.sel $0x180000  }
0xd0: {  	[bflag:$0x0] =	sbarrier.arrive $0xFFFF  }
0xd1: {  	_ =	strace $0x9000004A  }
0xd2: {  	s0 =	stileid.u32;
	[bflag:$0x2] =	sbarrier.arrive $0xFFFF  }
0xd3: {  	p0 =	sne.s32 s0, $0x0;
	s0 =	rddreg [dreg:$0x1]  }
0xd4: {  	s0 =	sadd.s32 @!p0 $0x100000, s0  }
0xd5: {  	[sflag:s0] =	ssyncadd.tile.s32 @!p0 $0x1;
	_ =	shalt  }
.Lfunc_end2:
_tile_overlayer_lowered:
.L_overlay_start_2:
0xd6: {  	(tag) =	ssettag $0x2  }
0xd7: {  	s0 =	rddreg [dreg:$0x0];
	s2 =	stileid.u32  }
0xd8: {  	s1 =	rddreg [dreg:$0x1];
	p0 =	sne.s32 s2, $0x0  }
0xd9: {  	s3 =	rddreg [dreg:$0x2];
	[bflag:$0x3] =	sbarrier.arrive $0xFFFF;
	s2 =	simm.s32 @!p0 $0x1C02  }
0xda: {  	[timem:s3], [sflag:s2] =	dma.local @!p0 [hbm:s0], s1  }
0xdb: {  	s0 =	simm.s32 @!p0 $0x2  }
0xdc: {  	_ =	swait.ge @!p0 [sflag:s0], s1  }
0xdd: {  	s1 =	ssub.s32 @!p0 $0x0, s1;
	[sflag:s0] =	ssyncset.done @!p0 $0x0  }
0xde: {  	[sflag:s0] =	ssyncadd.s32 @!p0 s1  }
0xdf: {  	[bflag:$0x3] =	sbarrier.arrive $0xFFFF  }
0xe0: {  	_ =	shalt  }

// kernel: kernel.7.cloned.1.call-start
scs
__scs_entry_jumppad:
0x0: {  	(pc) =	sbr.rel $0x88, $3  }
0x1: {  	(tag) =	ssettag $0x0;
	lr =	simm.s32 $0x1  }
0x2: {  	[smem:$0x3F9B] =	sst lr;
	_ =	strace $0xD0000000  }
0x3: {  	_ = 	snop  }
0x4: {  	_ = 	snop  }
0x5: {  	_ = 	snop  }
0x6: {  	_ = 	snop  }
0x7: {  	_ = 	snop  }
__scs_overlays_trampoline_lowered:
0x8: {  	[smem:$0x3FAA] =	sst s0  }
0x9: {  	[smem:$0x3FAB] =	sst s1  }
0xa: {  	[smem:$0x3FAC] =	sst s2  }
0xb: {  	[smem:$0x3FAD] =	sst s3  }
0xc: {  	[smem:$0x3FAE] =	sst s4  }
0xd: {  	[smem:$0x3FAF] =	sst s5  }
0xe: {  	[smem:$0x3FB0] =	sst s6  }
0xf: {  	[smem:$0x3FB1] =	sst s7  }
0x10: {  	[smem:$0x3FB2] =	sst s8  }
0x11: {  	[smem:$0x3FB3] =	sst s9;
	s0 =	simm.s32 @!p0 $0x0  }
0x12: {  	s1 =	sld [smem:$0x3F99];
	s0 =	simm.s32 @p0 $0x1  }
0x13: {  	[smem:$0x3FB4] =	sst s0;
	s0 =	simm.s32 @!p1 $0x0  }
0x14: {  	s2 =	sld [smem:$0x3F98];
	s0 =	simm.s32 @p1 $0x1  }
0x15: {  	[smem:$0x3FB5] =	sst s0;
	s0 =	simm.s32 @!p2 $0x0  }
0x16: {  	s3 =	sld [smem:$0x3FDB];
	s0 =	simm.s32 @p2 $0x1  }
0x17: {  	s4 =	simm.s32 $0x1BF5;
	[smem:$0x3FB7] =	sst s0  }
0x18: {  	s0 =	sld [smem:$0x3F9A];
	_ =	swait.ge [sflag:s4], $0x0  }
0x19: {  	s7 =	sld [smem:$0x3F9B]  }
0x1a: {  	s8 =	sadd.s32 $0xFFFFE003, lr  }
0x1b: {  	s9 =	sadd.s32 $0xFFFFFEF7, lr;
	s5 =	simm.s32 $0xFFFFFFFF;
	p2 =	slt.u32 s8, $0xFFFFF086  }
0x1c: {  	p1 =	slt.u32 s9, $0xF7A;
	s5 =	simm.s32 @!p2 $0x0  }
0x1d: {  	s5 =	simm.s32 @p1 $0x1;
	p0 =	seq.s32 s7, s2  }
0x1e: {  	s7 =	smul.u32 @!p0 $0xF7A, s2;
	p2 =	seq.s32 @!p0 s5, $0x0  }
0x1f: {  	s9 =	smul.u32 $0xF7A, s1;
	s8 =	simm.s32 @!p0 $0x1BF5;
	p2 =	por !p2, p0  }
0x20: {  	[sflag:s8] =	ssyncset.s32 @!p0 $0xFFFFF086;
	s6 =	sadd.s32 @!p0 s3, s7;
	s7 =	simm.s32 @!p0 $0x108  }
0x21: {  	s3 =	sadd.s32 s3, s9;
	s6 =	sadd.s32 @!p0 $0x88, s6;
	s7 =	simm.s32 @p2 $0x1082  }
0x22: {  	[simem:s7], [sflag:s8] =	dma.local @!p0 [hbm:s6], $0xF7A  }
0x23: {  	s9 =	sor.u32 $0xD0000000, s2;
	s6 =	simm.s32 $0x108;
	_ =	swait.ge @!p0 [sflag:s8], $0x0  }
0x24: {  	s3 =	sadd.s32 $0x88, s3;
	s6 =	simm.s32 @!p1 $0x1082;
	[sflag:s4] =	ssyncset.s32 $0xFFFFF086  }
0x25: {  	[simem:s6], [sflag:s4] =	dma.local [hbm:s3], $0xF7A  }
0x26: {  	[smem:$0x3F9B] =	sst s1;
	(tag) =	ssettag s2;
	_ =	strace s9  }
0x27: {  	s1 =	sld [smem:$0x3FAB]  }
0x28: {  	s2 =	sld [smem:$0x3FAC]  }
0x29: {  	s4 =	sld [smem:$0x3FAE]  }
0x2a: {  	p0 =	seq.s32 s5, $0x0;
	s5 =	sld [smem:$0x3FAF]  }
0x2b: {  	s6 =	sld [smem:$0x3FB0]  }
0x2c: {  	s7 =	sld [smem:$0x3FB1]  }
0x2d: {  	s3 =	simm.s32 $0x108;
	s8 =	sld [smem:$0x3FB2]  }
0x2e: {  	s3 =	simm.s32 @!p0 $0x1082;
	s9 =	sld [smem:$0x3FB3]  }
0x2f: {  	lr =	sadd.s32 s0, s3;
	s0 =	sld [smem:$0x3FAA]  }
0x30: {  	s3 =	sld [smem:$0x3FAD]  }
0x31: {  	[smem:$0x3FB6] =	sst s10  }
0x32: {  	s10 =	sld [smem:$0x3FB4];
	_ =	sdelay $0x3  }
0x33: {  	p0 =	seq.s32 s10, $0x1;
	s10 =	sld [smem:$0x3FB6];
	_ =	sdelay $0x3  }
0x34: {  	[smem:$0x3FB6] =	sst s10  }
0x35: {  	s10 =	sld [smem:$0x3FB5];
	_ =	sdelay $0x3  }
0x36: {  	p1 =	seq.s32 s10, $0x1;
	s10 =	sld [smem:$0x3FB6];
	_ =	sdelay $0x3  }
0x37: {  	[smem:$0x3FB6] =	sst s10  }
0x38: {  	s10 =	sld [smem:$0x3FB7]  }
0x39: {  	_ = 	snop;
	(pc) =	sbr.ind lr, $3  }
0x3a: {  	_ = 	snop  }
0x3b: {  	_ = 	snop  }
0x3c: {  	p2 =	seq.s32 s10, $0x1;
	s10 =	sld [smem:$0x3FB6]  }
0x3d: {  	_ =	shalt  }
0x3e: {  	_ =	shalt  }
0x3f: {  	_ =	shalt  }
0x40: {  	_ =	shalt  }
0x41: {  	_ =	shalt  }
0x42: {  	_ =	shalt  }
0x43: {  	_ =	shalt  }
0x44: {  	_ =	shalt  }
0x45: {  	_ =	shalt  }
0x46: {  	_ =	shalt  }
0x47: {  	_ =	shalt  }
0x48: {  	_ =	shalt  }
0x49: {  	_ =	shalt  }
0x4a: {  	_ =	shalt  }
0x4b: {  	_ =	shalt  }
0x4c: {  	_ =	shalt  }
0x4d: {  	_ =	shalt  }
0x4e: {  	_ =	shalt  }
0x4f: {  	_ =	shalt  }
0x50: {  	_ =	shalt  }
0x51: {  	_ =	shalt  }
0x52: {  	_ =	shalt  }
0x53: {  	_ =	shalt  }
0x54: {  	_ =	shalt  }
0x55: {  	_ =	shalt  }
0x56: {  	_ =	shalt  }
0x57: {  	_ =	shalt  }
0x58: {  	_ =	shalt  }
0x59: {  	_ =	shalt  }
0x5a: {  	_ =	shalt  }
0x5b: {  	_ =	shalt  }
0x5c: {  	_ =	shalt  }
0x5d: {  	_ =	shalt  }
0x5e: {  	_ =	shalt  }
0x5f: {  	_ =	shalt  }
0x60: {  	_ =	shalt  }
0x61: {  	_ =	shalt  }
0x62: {  	_ =	shalt  }
0x63: {  	_ =	shalt  }
0x64: {  	_ =	shalt  }
0x65: {  	_ =	shalt  }
0x66: {  	_ =	shalt  }
0x67: {  	_ =	shalt  }
0x68: {  	_ =	shalt  }
0x69: {  	_ =	shalt  }
0x6a: {  	_ =	shalt  }
0x6b: {  	_ =	shalt  }
0x6c: {  	_ =	shalt  }
0x6d: {  	_ =	shalt  }
0x6e: {  	_ =	shalt  }
0x6f: {  	_ =	shalt  }
0x70: {  	_ =	shalt  }
0x71: {  	_ =	shalt  }
0x72: {  	_ =	shalt  }
0x73: {  	_ =	shalt  }
0x74: {  	_ =	shalt  }
0x75: {  	_ =	shalt  }
0x76: {  	_ =	shalt  }
0x77: {  	_ =	shalt  }
0x78: {  	_ =	shalt  }
0x79: {  	_ =	shalt  }
0x7a: {  	_ =	shalt  }
0x7b: {  	_ =	shalt  }
0x7c: {  	_ =	shalt  }
0x7d: {  	_ =	shalt  }
0x7e: {  	_ =	shalt  }
0x7f: {  	_ =	shalt  }
0x80: {  	_ =	shalt  }
0x81: {  	_ =	shalt  }
0x82: {  	_ =	shalt  }
0x83: {  	_ =	shalt  }
0x84: {  	_ =	shalt  }
0x85: {  	_ =	shalt  }
0x86: {  	_ =	shalt  }
0x87: {  	_ =	shalt  }
.Lfunc_end0:
.L_simem_size_0:
called_computation_lowered:
.L_overlay_start_0:
0x88: {  	s2 =	sld [smem:$0x3FD9]  }
0x89: {  	s3 =	sld [smem:$0x3FFE];
	_ =	sdelay $0x1  }
0x8a: {  	s1 =	srdreg.scid  }
0x8b: {  	s0 =	sand.u32 $0x1, s1  }
0x8c: {  	s17 =	sshll.u32 s0, $0xA;
	s2 =	sadd.s32 s3, s2  }
0x8d: {  	s2 =	sadd.s32 s2, s17  }
0x8e: {  	[smem:$0x3FC2] =	sst s2  }
0x8f: {  	_ = 	snop  }
0x90: {  	s2 =	sld [smem:$0x3FC9];
	(tm) =	ssettm $0x1  }
0x91: {  	s18 =	sld [smem:$0x3FFB];
	_ =	sdelay $0x3  }
0x92: {  	_ =	strace s18  }
0x93: {  	s3 =	sld [smem:$0x3FFC];
	_ =	sdelay $0x3  }
0x94: {  	_ =	strace s3  }
0x95: {  	s3 =	sld [smem:$0x3FFD];
	_ =	sdelay $0x3  }
0x96: {  	_ =	strace s3  }
0x97: {  	_ =	strace $0x8FFFFFFF  }
0x98: {  	s19 =	sld [smem:$0x3FDB];
	_ =	sdelay $0x1  }
0x99: {  	s4 =	simm.s32 $_scs_section_size  }
0x9a: {  	s5 =	simm.s32 $_size__tile_overlayer_lowered;
	s6 =	simm.s32 $_tile_overlayer_lowered  }
0x9b: {  	s22 =	simm.s32 $0x1BFF;
	s21 =	sshll.u32 s6, $0x1;
	s3 =	sadd.s32 s4, s19  }
0x9c: {  	s7 =	simm.s32 $0x0;
	s20 =	sshll.u32 s5, $0x1;
	s5 =	sadd.s32 s21, s3  }
0x9d: {  	[timem:s7], [sflag:s22] =	dma.local [hbm:s5], s20  }
0x9e: {  	_ =	swait.ge [sflag:s22], s20  }
0x9f: {  	s4 =	ssub.s32 $0x0, s20;
	[sflag:s22] =	ssyncset.done $0x0  }
0xa0: {  	[sflag:s22] =	ssyncadd.s32 s4;
	_ =	sdelay $0x1  }
0xa1: {  	s23 =	simm.s32 $0x1B8B  }
0xa2: {  	_ =	swait.ge [sflag:s23], $0x1  }
0xa3: {  	[sflag:s23] =	ssyncset.done $0x0  }
0xa4: {  	s25 =	simm.s32 $0x1B8E;
	s24 =	sld [smem:$0x3FFE];
	[sflag:s23] =	ssyncadd.s32 $0xFFFFFFFF  }
0xa5: {  	s26 =	simm.s32 $execute0_lowered;
	[smem:$0x3FD2] =	sst s25  }
0xa6: {  	s5 =	sshll.u32 s26, $0x1;
	_ =	strace $0x80000046;
	[dreg:$0x1] =	wrdreg $0xFFFFFFFF  }
0xa7: {  	s28 =	simm.s32 $_size_execute0_lowered;
	s3 =	sadd.s32 s3, s5;
	[dreg:$0x0] =	wrdreg $0x0  }
0xa8: {  	s5 =	sshll.u32 s28, $0x1;
	[dreg:$0x2] =	wrdreg s3  }
0xa9: {  	[dreg:$0x3] =	wrdreg s5  }
0xaa: {  	[dreg:$0x4] =	wrdreg $0xC0  }
0xab: {  	_ =	task [dreg:s7], $0x5FFFF  }
0xac: {  	[dreg:$0x1] =	wrdreg $0xFFFFFFFF  }
0xad: {  	[dreg:$0x0] =	wrdreg $0x60  }
0xae: {  	[dreg:$0x2] =	wrdreg s2  }
0xaf: {  	[dreg:$0x3] =	wrdreg s24  }
0xb0: {  	[dreg:$0x4] =	wrdreg $0x9  }
0xb1: {  	_ =	task.clear_ibuf [dreg:s7], $0x5FFFF;
	_ =	strace $0x90000046  }
0xb2: {  	s29 =	simm.s32 $0x9;
	_ =	strace $0x80000048  }
0xb3: {  	_ =	swait.ge [sflag:s29], $0x1  }
0xb4: {  	[sflag:s29] =	ssyncadd.s32 $0xFFFFFFFF  }
0xb5: {  	_ =	strace $0x90000048  }
0xb6: {  	_ =	sfence  }
0xb7: {  	s30 =	sld [smem:$0x0];
	_ =	sdelay $0x2  }
0xb8: {  	s31 =	sshll.u32 s1, $0xD;
	s1 =	sshrl.u32 s1, $0x2  }
0xb9: {  	s3 =	sand.u32 $0x4000, s31;
	s1 =	sadd.s32 s1, s30  }
0xba: {  	s0 =	sor.u32 s3, s0;
	s1 =	sshll.u32 s1, $0x11  }
0xbb: {  	s0 =	sor.u32 s1, s0  }
0xbc: {  	s0 =	sadd.s32 $0x8F2B, s0  }
0xbd: {  	[sflag:s0] =	ssyncadd.remote.s32 $0x1  }
0xbe: {  	_ =	sfence.sel $0xFFFF  }
0xbf: {  	[dreg:$0x0] =	wrdreg $0xFFFFFFFF;
	(pc) =	sbr.abs _section_cstart, $3  }
0xc0: {  	[dreg:$0x1] =	wrdreg $0xFFFFFFFF  }
0xc1: {  	_ =	task.clear_ibuf [dreg:s7], $0x2FFFF;
	_ =	strace $0x9FFFFFFF  }
0xc2: {  	(tm) =	ssettm $0x7FFFFFFF  }
0xc3: {  	_ =	shalt  }
tec
execute0_lowered:
.L_overlay_start_1:
0x0: {  	(tag) =	ssettag $0x1  }
0x1: {  	s0 =	rddreg [dreg:$0x0]  }
0x2: {  	s1 =	rddreg [dreg:$0x1];
	s2 =	simm.s32 $0x0  }
0x3: {  	s3 =	srdreg.scid;
	s5 =	stileid.u32;
	s18 =	simm.s32 $0x1  }
0x4: {  	s20 =	simm.s32 $0x1100;
	s21 =	simm.s32 $0x1900;
	s22 =	simm.s32 $0x2100  }
0x5: {  	s23 =	simm.s32 $0x2900;
	s24 =	simm.s32 $0x3100;
	s25 =	simm.s32 $0x3900  }
0x6: {  	s28 =	simm.s32 $0x4900;
	s29 =	simm.s32 $0x5100;
	s30 =	simm.s32 $0x5900  }
0x7: {  	s31 =	simm.s32 $0x6100;
	s10 =	simm.s32 $0x7900;
	s11 =	simm.s32 $0x8100  }
0x8: {  	s12 =	simm.s32 $0x8900;
	s13 =	simm.s32 $0x9100;
	s14 =	simm.s32 $0x9900  }
0x9: {  	s15 =	simm.s32 $0xA100;
	s16 =	simm.s32 $0xA900;
	s17 =	simm.s32 $0xB100  }
0xa: {  	s9 =	simm.s32 $0xB900;
	[smem:$0x7FF] =	sst s2;
	s4 =	sand.u32 $0x1, s3  }
0xb: {  	s26 =	sshll.u32 s5, $0x1;
	s3 =	sadd.s32 $0x400, s1;
	_ =	strace $0x80000047  }
0xc: {  	s5 =	sor.u32 s4, s26;
	s4 =	ssub.s32 $0x2, s4;
	s26 =	simm.s32 $0x4100  }
0xd: {  	s6 =	sshll.u32 s5, $0x5;
	s7 =	sshrl.u32 s4, $0x1;
	s5 =	sshll.u32 s5, $0xD  }
0xe: {  	v2 =	vlaneseq.u32;
	s6 =	sadd.s32 s1, s6;
	s7 =	ssub.s32 s4, s7;
	s0 =	sadd.s32 s0, s5  }
0xf: {  	vm0 =	vmmov $0xffff;
	v1 =	vshrl.u32 v2, $0x3;
	s4 =	sadd.s32 $0x500, s1;
	s5 =	sadd.s32 $0x600, s1;
	[dreg:$0x3] =	wrdreg s6  }
0x10: {  	v0 =	vand.u32 $0x7, v2;
	v2 =	vor.u32 $0x8, v2;
	v1 =	vmul.u32 $0x8, v1;
	[dreg:$0x4] =	wrdreg s0;
	s6 =	sadd.s32 $0x700, s1;
	s7 =	smax.u32 s7, $0x1  }
.LBB2_1:
0x11: {  	s19 =	rddreg [dreg:$0x3];
	s0 =	simm.s32 $0x2  }
0x12: {  	[tilespmem:s2], [sflag:$0x2] =	stream.linear.gather [hbm4b:s19+s2], $0x100, $0x38;
	[tilespmem:$0x10100] =	vst v63  }
0x13: {  	_ =	swait.ge [sflag:s0], $0x100  }
0x14: {  	[sflag:s0] =	ssyncset.done $0x0  }
0x15: {  	s8 =	simm.s32 $0x100;
	s1 =	rddreg [dreg:$0x4];
	[sflag:s0] =	ssyncadd.s32 $0xFFFFFF00  }
0x16: {  	[tilespmem:s8], [sflag:$0x2] =	stream.linear.gather [hbm4b:s1+s2], $0x10000, $0x38;
	[tilespmem:$0x10100] =	vst v63  }
0x17: {  	_ =	swait.ge [sflag:s0], $0x10000  }
0x18: {  	[sflag:s0] =	ssyncset.done $0x0  }
0x19: {  	[sflag:s0] =	ssyncadd.s32 $0xFFFF0000  }
0x1a: {  	v3 =	vld [tilespmem:$0x0];
	_ =	sdelay $0x4  }
0x1b: {  	v4 =	vshll.u32 v3, $0x3  }
0x1c: {  	v3 =	vand.u32 $0x7, v3;
	v4 =	vand.u32 $0xFFFFFFC0, v4  }
0x1d: {  	v3 =	vor.u32 v3, v4  }
0x1e: {  	v4 =	vperm.xlane v3, v0;
	_ =	sdelay $0x1  }
0x1f: {  	v4 =	vadd.s32 v1, v4;
	_ =	sdelay $0x4  }
0x20: {  	[hbm4b:s3+s2] =	stream.indirect_vreg.scatter [tilespmem:s8], [sflag:$0x1], $0x80, v4, vm0, $0xb8;
	[tilespmem:$0x10100] =	vst v63  }
0x21: {  	s19 =	simm.s32 $0x900;
	v3 =	vperm.xlane v3, v2  }
0x22: {  	[hbm4b:s4+s2] =	stream.indirect_vreg.scatter [tilespmem:s19], [sflag:$0x1], $0x80, v4, vm0, $0xb8;
	[tilespmem:$0x10100] =	vst v63  }
0x23: {  	v3 =	vadd.s32 v1, v3  }
0x24: {  	[hbm4b:s5+s2] =	stream.indirect_vreg.scatter [tilespmem:s20], [sflag:$0x1], $0x80, v4, vm0, $0xb8;
	[tilespmem:$0x10100] =	vst v63  }
0x25: {  	_ = 	snop  }
0x26: {  	[hbm4b:s6+s2] =	stream.indirect_vreg.scatter [tilespmem:s21], [sflag:$0x1], $0x80, v4, vm0, $0xb8;
	[tilespmem:$0x10100] =	vst v63  }
0x27: {  	_ = 	snop  }
0x28: {  	[hbm4b:s3+s2] =	stream.indirect_vreg.scatter [tilespmem:s22], [sflag:$0x1], $0x80, v3, vm0, $0xb8;
	[tilespmem:$0x10100] =	vst v63  }
0x29: {  	_ = 	snop  }
0x2a: {  	[hbm4b:s4+s2] =	stream.indirect_vreg.scatter [tilespmem:s23], [sflag:$0x1], $0x80, v3, vm0, $0xb8;
	[tilespmem:$0x10100] =	vst v63  }
0x2b: {  	_ = 	snop  }
0x2c: {  	[hbm4b:s5+s2] =	stream.indirect_vreg.scatter [tilespmem:s24], [sflag:$0x1], $0x80, v3, vm0, $0xb8;
	[tilespmem:$0x10100] =	vst v63  }
0x2d: {  	_ = 	snop  }
0x2e: {  	[hbm4b:s6+s2] =	stream.indirect_vreg.scatter [tilespmem:s25], [sflag:$0x1], $0x80, v3, vm0, $0xb8;
	[tilespmem:$0x10100] =	vst v63  }
0x2f: {  	v3 =	vld [tilespmem:$0x10];
	_ =	sdelay $0x4  }
0x30: {  	v57 =	vshll.u32 v3, $0x3  }
0x31: {  	v3 =	vand.u32 $0x7, v3;
	v4 =	vand.u32 $0xFFFFFFC0, v57  }
0x32: {  	v3 =	vor.u32 v3, v4  }
0x33: {  	v4 =	vperm.xlane v3, v0;
	_ =	sdelay $0x1  }
0x34: {  	v4 =	vadd.s32 v1, v4;
	_ =	sdelay $0x4  }
0x35: {  	[hbm4b:s3+s2] =	stream.indirect_vreg.scatter [tilespmem:s26], [sflag:$0x1], $0x80, v4, vm0, $0xb8;
	[tilespmem:$0x10100] =	vst v63  }
0x36: {  	v3 =	vperm.xlane v3, v2  }
0x37: {  	[hbm4b:s4+s2] =	stream.indirect_vreg.scatter [tilespmem:s28], [sflag:$0x1], $0x80, v4, vm0, $0xb8;
	[tilespmem:$0x10100] =	vst v63  }
0x38: {  	v3 =	vadd.s32 v1, v3  }
0x39: {  	[hbm4b:s5+s2] =	stream.indirect_vreg.scatter [tilespmem:s29], [sflag:$0x1], $0x80, v4, vm0, $0xb8;
	[tilespmem:$0x10100] =	vst v63  }
0x3a: {  	_ = 	snop  }
0x3b: {  	[hbm4b:s6+s2] =	stream.indirect_vreg.scatter [tilespmem:s30], [sflag:$0x1], $0x80, v4, vm0, $0xb8;
	[tilespmem:$0x10100] =	vst v63  }
0x3c: {  	_ = 	snop  }
0x3d: {  	[hbm4b:s3+s2] =	stream.indirect_vreg.scatter [tilespmem:s31], [sflag:$0x1], $0x80, v3, vm0, $0xb8;
	[tilespmem:$0x10100] =	vst v63  }
0x3e: {  	s1 =	simm.s32 $0x6900  }
0x3f: {  	[hbm4b:s4+s2] =	stream.indirect_vreg.scatter [tilespmem:s1], [sflag:$0x1], $0x80, v3, vm0, $0xb8;
	[tilespmem:$0x10100] =	vst v63  }
0x40: {  	s1 =	simm.s32 $0x7100  }
0x41: {  	[hbm4b:s5+s2] =	stream.indirect_vreg.scatter [tilespmem:s1], [sflag:$0x1], $0x80, v3, vm0, $0xb8;
	[tilespmem:$0x10100] =	vst v63  }
0x42: {  	_ = 	snop  }
0x43: {  	[hbm4b:s6+s2] =	stream.indirect_vreg.scatter [tilespmem:s10], [sflag:$0x1], $0x80, v3, vm0, $0xb8;
	[tilespmem:$0x10100] =	vst v63  }
0x44: {  	v3 =	vld [tilespmem:$0x20];
	_ =	sdelay $0x4  }
0x45: {  	v58 =	vshll.u32 v3, $0x3  }
0x46: {  	v3 =	vand.u32 $0x7, v3;
	v4 =	vand.u32 $0xFFFFFFC0, v58  }
0x47: {  	v3 =	vor.u32 v3, v4  }
0x48: {  	v4 =	vperm.xlane v3, v0;
	_ =	sdelay $0x1  }
0x49: {  	v4 =	vadd.s32 v1, v4;
	_ =	sdelay $0x4  }
0x4a: {  	[hbm4b:s3+s2] =	stream.indirect_vreg.scatter [tilespmem:s11], [sflag:$0x1], $0x80, v4, vm0, $0xb8;
	[tilespmem:$0x10100] =	vst v63  }
0x4b: {  	v3 =	vperm.xlane v3, v2  }
0x4c: {  	[hbm4b:s4+s2] =	stream.indirect_vreg.scatter [tilespmem:s12], [sflag:$0x1], $0x80, v4, vm0, $0xb8;
	[tilespmem:$0x10100] =	vst v63  }
0x4d: {  	v3 =	vadd.s32 v1, v3  }
0x4e: {  	[hbm4b:s5+s2] =	stream.indirect_vreg.scatter [tilespmem:s13], [sflag:$0x1], $0x80, v4, vm0, $0xb8;
	[tilespmem:$0x10100] =	vst v63  }
0x4f: {  	_ = 	snop  }
0x50: {  	[hbm4b:s6+s2] =	stream.indirect_vreg.scatter [tilespmem:s14], [sflag:$0x1], $0x80, v4, vm0, $0xb8;
	[tilespmem:$0x10100] =	vst v63  }
0x51: {  	_ = 	snop  }
0x52: {  	[hbm4b:s3+s2] =	stream.indirect_vreg.scatter [tilespmem:s15], [sflag:$0x1], $0x80, v3, vm0, $0xb8;
	[tilespmem:$0x10100] =	vst v63  }
0x53: {  	_ = 	snop  }
0x54: {  	[hbm4b:s4+s2] =	stream.indirect_vreg.scatter [tilespmem:s16], [sflag:$0x1], $0x80, v3, vm0, $0xb8;
	[tilespmem:$0x10100] =	vst v63  }
0x55: {  	_ = 	snop  }
0x56: {  	[hbm4b:s5+s2] =	stream.indirect_vreg.scatter [tilespmem:s17], [sflag:$0x1], $0x80, v3, vm0, $0xb8;
	[tilespmem:$0x10100] =	vst v63  }
0x57: {  	_ = 	snop  }
0x58: {  	[hbm4b:s6+s2] =	stream.indirect_vreg.scatter [tilespmem:s9], [sflag:$0x1], $0x80, v3, vm0, $0xb8;
	[tilespmem:$0x10100] =	vst v63  }
0x59: {  	v3 =	vld [tilespmem:$0x30];
	_ =	sdelay $0x4  }
0x5a: {  	v59 =	vshll.u32 v3, $0x3  }
0x5b: {  	v3 =	vand.u32 $0x7, v3;
	v4 =	vand.u32 $0xFFFFFFC0, v59  }
0x5c: {  	v3 =	vor.u32 v3, v4  }
0x5d: {  	v4 =	vperm.xlane v3, v0;
	_ =	sdelay $0x1  }
0x5e: {  	v4 =	vadd.s32 v1, v4;
	_ =	sdelay $0x3  }
0x5f: {  	s0 =	simm.s32 $0xC100  }
0x60: {  	[hbm4b:s3+s2] =	stream.indirect_vreg.scatter [tilespmem:s0], [sflag:$0x1], $0x80, v4, vm0, $0xb8;
	[tilespmem:$0x10100] =	vst v63  }
0x61: {  	v3 =	vperm.xlane v3, v2;
	s0 =	simm.s32 $0xC900  }
0x62: {  	[hbm4b:s4+s2] =	stream.indirect_vreg.scatter [tilespmem:s0], [sflag:$0x1], $0x80, v4, vm0, $0xb8;
	[tilespmem:$0x10100] =	vst v63  }
0x63: {  	v3 =	vadd.s32 v1, v3;
	s0 =	simm.s32 $0xD100  }
0x64: {  	[hbm4b:s5+s2] =	stream.indirect_vreg.scatter [tilespmem:s0], [sflag:$0x1], $0x80, v4, vm0, $0xb8;
	[tilespmem:$0x10100] =	vst v63  }
0x65: {  	s0 =	simm.s32 $0xD900  }
0x66: {  	[hbm4b:s6+s2] =	stream.indirect_vreg.scatter [tilespmem:s0], [sflag:$0x1], $0x80, v4, vm0, $0xb8;
	[tilespmem:$0x10100] =	vst v63  }
0x67: {  	s0 =	simm.s32 $0xE100  }
0x68: {  	[hbm4b:s3+s2] =	stream.indirect_vreg.scatter [tilespmem:s0], [sflag:$0x1], $0x80, v3, vm0, $0xb8;
	[tilespmem:$0x10100] =	vst v63  }
0x69: {  	s0 =	simm.s32 $0xE900  }
0x6a: {  	[hbm4b:s4+s2] =	stream.indirect_vreg.scatter [tilespmem:s0], [sflag:$0x1], $0x80, v3, vm0, $0xb8;
	[tilespmem:$0x10100] =	vst v63  }
0x6b: {  	s0 =	simm.s32 $0xF100  }
0x6c: {  	[hbm4b:s5+s2] =	stream.indirect_vreg.scatter [tilespmem:s0], [sflag:$0x1], $0x80, v3, vm0, $0xb8;
	[tilespmem:$0x10100] =	vst v63  }
0x6d: {  	s0 =	simm.s32 $0xF900  }
0x6e: {  	[hbm4b:s6+s2] =	stream.indirect_vreg.scatter [tilespmem:s0], [sflag:$0x1], $0x80, v3, vm0, $0xb8;
	[tilespmem:$0x10100] =	vst v63  }
0x6f: {  	_ =	swait.ge [sflag:s18], $0x10000  }
0x70: {  	[sflag:s18] =	ssyncset.done $0x0  }
0x71: {  	[sflag:s18] =	ssyncadd.s32 $0xFFFF0000  }
0x72: {  	v3 =	vld [tilespmem:$0x80];
	_ =	sdelay $0x4  }
0x73: {  	v60 =	vshll.u32 v3, $0x3  }
0x74: {  	v3 =	vand.u32 $0x7, v3;
	v4 =	vand.u32 $0xFFFFFFC0, v60  }
0x75: {  	v3 =	vor.u32 v3, v4  }
0x76: {  	v4 =	vperm.xlane v3, v0;
	_ =	sdelay $0x1  }
0x77: {  	v4 =	vadd.s32 v1, v4;
	_ =	sdelay $0x4  }
0x78: {  	[hbm4b:s3+s2] =	stream.indirect_vreg.scatter [tilespmem:s8], [sflag:$0x1], $0x80, v4, vm0, $0xb8;
	[tilespmem:$0x10100] =	vst v63  }
0x79: {  	v3 =	vperm.xlane v3, v2  }
0x7a: {  	[hbm4b:s4+s2] =	stream.indirect_vreg.scatter [tilespmem:s19], [sflag:$0x1], $0x80, v4, vm0, $0xb8;
	[tilespmem:$0x10100] =	vst v63  }
0x7b: {  	v3 =	vadd.s32 v1, v3  }
0x7c: {  	[hbm4b:s5+s2] =	stream.indirect_vreg.scatter [tilespmem:s20], [sflag:$0x1], $0x80, v4, vm0, $0xb8;
	[tilespmem:$0x10100] =	vst v63  }
0x7d: {  	_ = 	snop  }
0x7e: {  	[hbm4b:s6+s2] =	stream.indirect_vreg.scatter [tilespmem:s21], [sflag:$0x1], $0x80, v4, vm0, $0xb8;
	[tilespmem:$0x10100] =	vst v63  }
0x7f: {  	_ = 	snop  }
0x80: {  	[hbm4b:s3+s2] =	stream.indirect_vreg.scatter [tilespmem:s22], [sflag:$0x1], $0x80, v3, vm0, $0xb8;
	[tilespmem:$0x10100] =	vst v63  }
0x81: {  	_ = 	snop  }
0x82: {  	[hbm4b:s4+s2] =	stream.indirect_vreg.scatter [tilespmem:s23], [sflag:$0x1], $0x80, v3, vm0, $0xb8;
	[tilespmem:$0x10100] =	vst v63  }
0x83: {  	_ = 	snop  }
0x84: {  	[hbm4b:s5+s2] =	stream.indirect_vreg.scatter [tilespmem:s24], [sflag:$0x1], $0x80, v3, vm0, $0xb8;
	[tilespmem:$0x10100] =	vst v63  }
0x85: {  	_ = 	snop  }
0x86: {  	[hbm4b:s6+s2] =	stream.indirect_vreg.scatter [tilespmem:s25], [sflag:$0x1], $0x80, v3, vm0, $0xb8;
	[tilespmem:$0x10100] =	vst v63  }
0x87: {  	v3 =	vld [tilespmem:$0x90];
	_ =	sdelay $0x4  }
0x88: {  	v61 =	vshll.u32 v3, $0x3  }
0x89: {  	v3 =	vand.u32 $0x7, v3;
	v4 =	vand.u32 $0xFFFFFFC0, v61  }
0x8a: {  	v3 =	vor.u32 v3, v4  }
0x8b: {  	v4 =	vperm.xlane v3, v0;
	_ =	sdelay $0x1  }
0x8c: {  	v4 =	vadd.s32 v1, v4;
	_ =	sdelay $0x4  }
0x8d: {  	[hbm4b:s3+s2] =	stream.indirect_vreg.scatter [tilespmem:s26], [sflag:$0x1], $0x80, v4, vm0, $0xb8;
	[tilespmem:$0x10100] =	vst v63  }
0x8e: {  	v3 =	vperm.xlane v3, v2  }
0x8f: {  	[hbm4b:s4+s2] =	stream.indirect_vreg.scatter [tilespmem:s28], [sflag:$0x1], $0x80, v4, vm0, $0xb8;
	[tilespmem:$0x10100] =	vst v63  }
0x90: {  	v3 =	vadd.s32 v1, v3  }
0x91: {  	[hbm4b:s5+s2] =	stream.indirect_vreg.scatter [tilespmem:s29], [sflag:$0x1], $0x80, v4, vm0, $0xb8;
	[tilespmem:$0x10100] =	vst v63  }
0x92: {  	_ = 	snop  }
0x93: {  	[hbm4b:s6+s2] =	stream.indirect_vreg.scatter [tilespmem:s30], [sflag:$0x1], $0x80, v4, vm0, $0xb8;
	[tilespmem:$0x10100] =	vst v63  }
0x94: {  	_ = 	snop  }
0x95: {  	[hbm4b:s3+s2] =	stream.indirect_vreg.scatter [tilespmem:s31], [sflag:$0x1], $0x80, v3, vm0, $0xb8;
	[tilespmem:$0x10100] =	vst v63  }
0x96: {  	s19 =	simm.s32 $0x6900  }
0x97: {  	[hbm4b:s4+s2] =	stream.indirect_vreg.scatter [tilespmem:s19], [sflag:$0x1], $0x80, v3, vm0, $0xb8;
	[tilespmem:$0x10100] =	vst v63  }
0x98: {  	_ = 	snop  }
0x99: {  	[hbm4b:s5+s2] =	stream.indirect_vreg.scatter [tilespmem:s1], [sflag:$0x1], $0x80, v3, vm0, $0xb8;
	[tilespmem:$0x10100] =	vst v63  }
0x9a: {  	_ = 	snop  }
0x9b: {  	[hbm4b:s6+s2] =	stream.indirect_vreg.scatter [tilespmem:s10], [sflag:$0x1], $0x80, v3, vm0, $0xb8;
	[tilespmem:$0x10100] =	vst v63  }
0x9c: {  	v3 =	vld [tilespmem:$0xA0];
	_ =	sdelay $0x4  }
0x9d: {  	v62 =	vshll.u32 v3, $0x3  }
0x9e: {  	v3 =	vand.u32 $0x7, v3;
	v4 =	vand.u32 $0xFFFFFFC0, v62  }
0x9f: {  	v3 =	vor.u32 v3, v4  }
0xa0: {  	v4 =	vperm.xlane v3, v0;
	_ =	sdelay $0x1  }
0xa1: {  	v4 =	vadd.s32 v1, v4;
	_ =	sdelay $0x4  }
0xa2: {  	[hbm4b:s3+s2] =	stream.indirect_vreg.scatter [tilespmem:s11], [sflag:$0x1], $0x80, v4, vm0, $0xb8;
	[tilespmem:$0x10100] =	vst v63  }
0xa3: {  	v3 =	vperm.xlane v3, v2  }
0xa4: {  	[hbm4b:s4+s2] =	stream.indirect_vreg.scatter [tilespmem:s12], [sflag:$0x1], $0x80, v4, vm0, $0xb8;
	[tilespmem:$0x10100] =	vst v63  }
0xa5: {  	v3 =	vadd.s32 v1, v3  }
0xa6: {  	[hbm4b:s5+s2] =	stream.indirect_vreg.scatter [tilespmem:s13], [sflag:$0x1], $0x80, v4, vm0, $0xb8;
	[tilespmem:$0x10100] =	vst v63  }
0xa7: {  	_ = 	snop  }
0xa8: {  	[hbm4b:s6+s2] =	stream.indirect_vreg.scatter [tilespmem:s14], [sflag:$0x1], $0x80, v4, vm0, $0xb8;
	[tilespmem:$0x10100] =	vst v63  }
0xa9: {  	_ = 	snop  }
0xaa: {  	[hbm4b:s3+s2] =	stream.indirect_vreg.scatter [tilespmem:s15], [sflag:$0x1], $0x80, v3, vm0, $0xb8;
	[tilespmem:$0x10100] =	vst v63  }
0xab: {  	_ = 	snop  }
0xac: {  	[hbm4b:s4+s2] =	stream.indirect_vreg.scatter [tilespmem:s16], [sflag:$0x1], $0x80, v3, vm0, $0xb8;
	[tilespmem:$0x10100] =	vst v63  }
0xad: {  	_ = 	snop  }
0xae: {  	[hbm4b:s5+s2] =	stream.indirect_vreg.scatter [tilespmem:s17], [sflag:$0x1], $0x80, v3, vm0, $0xb8;
	[tilespmem:$0x10100] =	vst v63  }
0xaf: {  	_ = 	snop  }
0xb0: {  	[hbm4b:s6+s2] =	stream.indirect_vreg.scatter [tilespmem:s9], [sflag:$0x1], $0x80, v3, vm0, $0xb8;
	[tilespmem:$0x10100] =	vst v63  }
0xb1: {  	v3 =	vld [tilespmem:$0xB0];
	_ =	sdelay $0x4  }
0xb2: {  	v63 =	vshll.u32 v3, $0x3  }
0xb3: {  	v3 =	vand.u32 $0x7, v3;
	v4 =	vand.u32 $0xFFFFFFC0, v63  }
0xb4: {  	v3 =	vor.u32 v3, v4  }
0xb5: {  	v4 =	vperm.xlane v3, v0;
	_ =	sdelay $0x1  }
0xb6: {  	v4 =	vadd.s32 v1, v4;
	_ =	sdelay $0x3  }
0xb7: {  	s19 =	simm.s32 $0xC100  }
0xb8: {  	[hbm4b:s3+s2] =	stream.indirect_vreg.scatter [tilespmem:s19], [sflag:$0x1], $0x80, v4, vm0, $0xb8;
	[tilespmem:$0x10100] =	vst v63  }
0xb9: {  	s8 =	simm.s32 $0xC900;
	v3 =	vperm.xlane v3, v2  }
0xba: {  	[hbm4b:s4+s2] =	stream.indirect_vreg.scatter [tilespmem:s8], [sflag:$0x1], $0x80, v4, vm0, $0xb8;
	[tilespmem:$0x10100] =	vst v63  }
0xbb: {  	v3 =	vadd.s32 v1, v3;
	s19 =	simm.s32 $0xD100  }
0xbc: {  	[hbm4b:s5+s2] =	stream.indirect_vreg.scatter [tilespmem:s19], [sflag:$0x1], $0x80, v4, vm0, $0xb8;
	[tilespmem:$0x10100] =	vst v63  }
0xbd: {  	s8 =	simm.s32 $0xD900  }
0xbe: {  	[hbm4b:s6+s2] =	stream.indirect_vreg.scatter [tilespmem:s8], [sflag:$0x1], $0x80, v4, vm0, $0xb8;
	[tilespmem:$0x10100] =	vst v63  }
0xbf: {  	s19 =	simm.s32 $0xE100  }
0xc0: {  	[hbm4b:s3+s2] =	stream.indirect_vreg.scatter [tilespmem:s19], [sflag:$0x1], $0x80, v3, vm0, $0xb8;
	[tilespmem:$0x10100] =	vst v63  }
0xc1: {  	s8 =	simm.s32 $0xE900  }
0xc2: {  	[hbm4b:s4+s2] =	stream.indirect_vreg.scatter [tilespmem:s8], [sflag:$0x1], $0x80, v3, vm0, $0xb8;
	[tilespmem:$0x10100] =	vst v63  }
0xc3: {  	p0 =	sne.s32 s7, $0x1;
	s19 =	simm.s32 $0xF100  }
0xc4: {  	[hbm4b:s5+s2] =	stream.indirect_vreg.scatter [tilespmem:s19], [sflag:$0x1], $0x80, v3, vm0, $0xb8;
	[tilespmem:$0x10100] =	vst v63  }
.Ltmp0:
0xc5: {  	_ = 	snop;
	(pc) =	sbr.rel @p0 .LBB2_1-.Ltmp0, $4  }
0xc6: {  	[hbm4b:s6+s2] =	stream.indirect_vreg.scatter [tilespmem:s0], [sflag:$0x1], $0x80, v3, vm0, $0xb8;
	[tilespmem:$0x10100] =	vst v63  }
0xc7: {  	_ =	swait.ge [sflag:s18], $0x10000  }
0xc8: {  	[sflag:s18] =	ssyncset.done $0x0  }
0xc9: {  	s7 =	sadd.s32 $0xFFFFFFFF, s7;
	[sflag:s18] =	ssyncadd.s32 $0xFFFF0000  }
0xca: {  	_ =	sfence.sel $0x180000  }
0xcb: {  	[bflag:$0x0] =	sbarrier.arrive $0xFFFF  }
0xcc: {  	_ =	strace $0x90000047  }
0xcd: {  	s0 =	stileid.u32;
	[bflag:$0x2] =	sbarrier.arrive $0xFFFF  }
0xce: {  	p0 =	sne.s32 s0, $0x0;
	s0 =	rddreg [dreg:$0x2]  }
0xcf: {  	s0 =	sadd.s32 @!p0 $0x100000, s0  }
0xd0: {  	[sflag:s0] =	ssyncadd.tile.s32 @!p0 $0x1;
	_ =	shalt  }
.Lfunc_end2:
_tile_overlayer_lowered:
.L_overlay_start_2:
0xd1: {  	(tag) =	ssettag $0x2  }
0xd2: {  	s0 =	rddreg [dreg:$0x0];
	s2 =	stileid.u32  }
0xd3: {  	s1 =	rddreg [dreg:$0x1];
	p0 =	sne.s32 s2, $0x0  }
0xd4: {  	s3 =	rddreg [dreg:$0x2];
	[bflag:$0x3] =	sbarrier.arrive $0xFFFF;
	s2 =	simm.s32 @!p0 $0x1C02  }
0xd5: {  	[timem:s3], [sflag:s2] =	dma.local @!p0 [hbm:s0], s1  }
0xd6: {  	s0 =	simm.s32 @!p0 $0x2  }
0xd7: {  	_ =	swait.ge @!p0 [sflag:s0], s1  }
0xd8: {  	s1 =	ssub.s32 @!p0 $0x0, s1;
	[sflag:s0] =	ssyncset.done @!p0 $0x0  }
0xd9: {  	[sflag:s0] =	ssyncadd.s32 @!p0 s1  }
0xda: {  	[bflag:$0x3] =	sbarrier.arrive $0xFFFF  }
0xdb: {  	_ =	shalt  }

</sc_bundles>
